<compile_context>
chip_gen: v7x
topology: tpu7x:2x2x1
jax: 0.10.2.dev20260603
libtpu: 0.0.44.dev20260713+nightly
codegen_flags: <defaults>
</compile_context>

<pallas_src>
import functools

import jax
import jax.numpy as jnp
from jax import lax
from jax.experimental import pallas as pl
from jax.experimental.pallas import tpu as pltpu
from jax.experimental.pallas import tpu_sc as plsc

N_FIELDS = 26
CARD = 100000
D_EMB = 32
BATCH = 16384

_INFO = plsc.get_sparse_core_info()
NC, NS = _INFO.num_cores, _INFO.num_subcores
NW = NC * NS

CHUNK_B = BATCH // 4


def _sc_body(tab_hbm, xt_hbm, out_hbm, slab_v, idx_v, out_v,
             sem_slab, sem_idx0, sem_idx1, sem_out0, sem_out1):
    d = lax.axis_index("s") * NC + lax.axis_index("c")
    n_steps = 4 * N_FIELDS

    def idx_src(t):
        return xt_hbm.at[t // 4, pl.ds((t % 4) * CHUNK_B, CHUNK_B)]

    def out_dst(t):
        return out_hbm.at[t // 4, d, pl.ds((t % 4) * CHUNK_B, CHUNK_B)]

    pltpu.async_copy(tab_hbm.at[0, d], slab_v, sem_slab)
    pltpu.async_copy(idx_src(0), idx_v.at[0], sem_idx0)

    def step(t, _):
        f = t // 4
        h = t % 4
        sem_idx = [sem_idx0, sem_idx1]
        sem_out = [sem_out0, sem_out1]

        def on_parity(p):
            pltpu.make_async_copy(idx_src(t), idx_v.at[p], sem_idx[p]).wait()

            @pl.when(h == 0)
            def _():
                pltpu.make_async_copy(tab_hbm.at[f, d], slab_v, sem_slab).wait()

            @pl.when(t + 1 < n_steps)
            def _():
                pltpu.async_copy(idx_src(t + 1), idx_v.at[1 - p], sem_idx[1 - p])

            @pl.when(t >= 2)
            def _():
                pltpu.make_async_copy(out_v.at[p], out_dst(t - 2),
                                      sem_out[p]).wait()

            @plsc.parallel_loop(0, CHUNK_B, step=16, unroll=16)
            def grp_body(g):
                vv = idx_v[p, pl.ds(g, 16)]
                out_v[p, pl.ds(g, 16)] = plsc.load_gather(slab_v, [vv])

            @pl.when((h == 3) & (f + 1 < N_FIELDS))
            def _():
                pltpu.async_copy(tab_hbm.at[f + 1, d], slab_v, sem_slab)

            pltpu.async_copy(out_v.at[p], out_dst(t), sem_out[p])

        @pl.when(t % 2 == 0)
        def _():
            on_parity(0)

        @pl.when(t % 2 == 1)
        def _():
            on_parity(1)

        return 0

    lax.fori_loop(0, n_steps, step, 0)

    pltpu.make_async_copy(out_v.at[0], out_dst(n_steps - 2), sem_out0).wait()
    pltpu.make_async_copy(out_v.at[1], out_dst(n_steps - 1), sem_out1).wait()


def kernel(x, tables):
    tab_t = tables.transpose(0, 2, 1)
    x_t = x.T.astype(jnp.int32)

    mesh = plsc.VectorSubcoreMesh(core_axis_name="c", subcore_axis_name="s")
    k = functools.partial(
        pl.kernel,
        mesh=mesh,
        out_type=jax.ShapeDtypeStruct((N_FIELDS, D_EMB, BATCH), jnp.float32),
        scratch_types=[
            pltpu.VMEM((CARD + 1,), jnp.float32),
            pltpu.VMEM((2, CHUNK_B), jnp.int32),
            pltpu.VMEM((2, CHUNK_B), jnp.float32),
            pltpu.SemaphoreType.DMA,
            pltpu.SemaphoreType.DMA,
            pltpu.SemaphoreType.DMA,
            pltpu.SemaphoreType.DMA,
            pltpu.SemaphoreType.DMA,
        ],
        compiler_params=pltpu.CompilerParams(needs_layout_passes=False),
    )(_sc_body)
    out_t = k(tab_t, x_t)
    return out_t.transpose(2, 0, 1)

# --- scband reference (transcript-rebuilt; emitter-appended) ---
"""Pipeline reference for scband-categorical-embeddings1d-11828339933486 (READ-ONLY COPY).

The authoritative reference and input builder live on the scoring server;
editing this copy changes nothing except your own understanding.
"""

import jax, jax.numpy as jnp
import numpy as np
import math

N_FIELDS = 26
CARD = 100000
D_EMB = 32
BATCH = 16384

def setup_inputs(seed: int = 0) -> dict:
    key = jax.random.key(seed)
    x = jax.random.randint(jax.random.fold_in(key, 1), (BATCH, N_FIELDS), 0, CARD, dtype=jnp.int64 if jax.config.jax_enable_x64 else jnp.int32)
    d_rsqrt = 1.0 / math.sqrt(D_EMB)
    # One embedding table per field, each with CARD+1 rows (matching nn.Embedding(c + 1, d))
    tables = jax.random.uniform(jax.random.fold_in(key, 2), (N_FIELDS, CARD + 1, D_EMB), minval=-d_rsqrt, maxval=d_rsqrt, dtype=jnp.float32)
    return {"x": x, "tables": tables}

def reference(x, tables):
    # torch.stack([m(x[..., i]) for i, m in enumerate(self.embeddings)], dim=-2)
    outs = [jnp.take(tables[i], x[..., i], axis=0) for i in range(N_FIELDS)]
    return jnp.stack(outs, axis=-2)

if __name__ == "__main__":
    import jax
    _d = setup_inputs()
    print(jax.jit(kernel)(*tuple(_d.values())))

</pallas_src>

<mosaic_0001>
#map = affine_map<(d0, d1) -> (0, 0, 0)>
#map1 = affine_map<(d0, d1) -> (0, 0)>
module attributes {stable_mosaic.version = 14 : i64} {
  func.func @_sc_body(%arg0: i32, %arg1: i32, %arg2: memref<26x32x100001xf32, #tpu.memory_space<hbm>>, %arg3: memref<26x16384xi32, #tpu.memory_space<hbm>>, %arg4: memref<26x32x16384xf32, #tpu.memory_space<hbm>>, %arg5: memref<100001xf32, #tpu.memory_space<vmem>>, %arg6: memref<2x4096xi32, #tpu.memory_space<vmem>>, %arg7: memref<2x4096xf32, #tpu.memory_space<vmem>>, %arg8: memref<!tpu.dma_semaphore, #tpu.memory_space<semaphore_mem>>, %arg9: memref<!tpu.dma_semaphore, #tpu.memory_space<semaphore_mem>>, %arg10: memref<!tpu.dma_semaphore, #tpu.memory_space<semaphore_mem>>, %arg11: memref<!tpu.dma_semaphore, #tpu.memory_space<semaphore_mem>>, %arg12: memref<!tpu.dma_semaphore, #tpu.memory_space<semaphore_mem>>) attributes {dimension_semantics = [#tpu.dimension_semantics<core_parallel>, #tpu.dimension_semantics<subcore_parallel>], iteration_bounds = array<i64: 2, 16>, scalar_prefetch = 0 : i64, scratch_operands = 8 : i64, tpu.core_type = #tpu.core_type<sc_vector_subcore>, window_params = [{transform_indices = #map}, {transform_indices = #map1}, {transform_indices = #map}]} {
    %mul3A = arith.constant 2 : i32
    %mul3A_0 = arith.muli %arg1, %mul3A : i32
    %add3A = arith.addi %mul3A_0, %arg0 : i32
    %dma_start3A = arith.constant 0 : i32
    %dma_start3A_1 = arith.constant 0 : i32
    %dma_start3A_2 = tpu.memref_slice %arg2[%dma_start3A, %add3A, %dma_start3A_1] : memref<26x32x100001xf32, #tpu.memory_space<hbm>> -> memref<1x1x100001xf32, #tpu.memory_space<hbm>>
    %dma_start3A_3 = tpu.memref_squeeze %dma_start3A_2 : memref<1x1x100001xf32, #tpu.memory_space<hbm>> -> memref<100001xf32, #tpu.memory_space<hbm>>
    %dma_start3A_4 = arith.constant 0 : i32
    %dma_start3A_5 = tpu.memref_slice %arg2[%dma_start3A, %add3A, %dma_start3A_4] : memref<26x32x100001xf32, #tpu.memory_space<hbm>> -> memref<1x1x100001xf32, #tpu.memory_space<hbm>>
    %dma_start3A_6 = tpu.memref_squeeze %dma_start3A_5 : memref<1x1x100001xf32, #tpu.memory_space<hbm>> -> memref<100001xf32, #tpu.memory_space<hbm>>
    tpu.enqueue_dma source(%dma_start3A_6 : memref<100001xf32, #tpu.memory_space<hbm>>) target(%arg5 : memref<100001xf32, #tpu.memory_space<vmem>>) target_semaphore(%arg8 : memref<!tpu.dma_semaphore, #tpu.memory_space<semaphore_mem>>)
    %dma_start3A_7 = arith.constant 0 : i32
    %dma_start3A_8 = arith.constant 0 : i32
    %dma_start3A_9 = arith.constant 0 : i32
    %dma_start3A_10 = tpu.memref_slice %arg6[%dma_start3A_8, %dma_start3A_9] : memref<2x4096xi32, #tpu.memory_space<vmem>> -> memref<1x4096xi32, #tpu.memory_space<vmem>>
    %dma_start3A_11 = tpu.memref_squeeze %dma_start3A_10 : memref<1x4096xi32, #tpu.memory_space<vmem>> -> memref<4096xi32, #tpu.memory_space<vmem>>
    %dma_start3A_12 = arith.constant 0 : i32
    %dma_start3A_13 = tpu.memref_slice %arg3[%dma_start3A_7, %dma_start3A_12] : memref<26x16384xi32, #tpu.memory_space<hbm>> -> memref<1x4096xi32, #tpu.memory_space<hbm>>
    %dma_start3A_14 = tpu.memref_squeeze %dma_start3A_13 : memref<1x4096xi32, #tpu.memory_space<hbm>> -> memref<4096xi32, #tpu.memory_space<hbm>>
    %dma_start3A_15 = arith.constant 0 : i32
    %dma_start3A_16 = tpu.memref_slice %arg6[%dma_start3A_8, %dma_start3A_15] : memref<2x4096xi32, #tpu.memory_space<vmem>> -> memref<1x4096xi32, #tpu.memory_space<vmem>>
    %dma_start3A_17 = tpu.memref_squeeze %dma_start3A_16 : memref<1x4096xi32, #tpu.memory_space<vmem>> -> memref<4096xi32, #tpu.memory_space<vmem>>
    %dma_start3A_18 = arith.constant 0 : i32
    %dma_start3A_19 = tpu.memref_slice %arg3[%dma_start3A_7, %dma_start3A_18] : memref<26x16384xi32, #tpu.memory_space<hbm>> -> memref<1x4096xi32, #tpu.memory_space<hbm>>
    %dma_start3A_20 = tpu.memref_squeeze %dma_start3A_19 : memref<1x4096xi32, #tpu.memory_space<hbm>> -> memref<4096xi32, #tpu.memory_space<hbm>>
    tpu.enqueue_dma source(%dma_start3A_20 : memref<4096xi32, #tpu.memory_space<hbm>>) target(%dma_start3A_17 : memref<4096xi32, #tpu.memory_space<vmem>>) target_semaphore(%arg9 : memref<!tpu.dma_semaphore, #tpu.memory_space<semaphore_mem>>)
    %scan3A = arith.constant 0 : i32
    %scan3A_21 = arith.constant 0 : i32
    %scan3A_22 = arith.constant 104 : i32
    %scan3A_23 = arith.addi %scan3A_21, %scan3A_22 : i32
    %scan3A_24 = arith.constant 1 : i32
    %scan3A_25 = scf.for %scan3A_54 = %scan3A_21 to %scan3A_23 step %scan3A_24 iter_args(%scan3A_55 = %scan3A) -> (i32)  : i32 {
      %jit3A = arith.constant 4 : i32
      %div3A = arith.divsi %scan3A_54, %jit3A : i32
      %sign3A = arith.constant 0 : i32
      %sign3A_56 = arith.cmpi sgt, %scan3A_54, %sign3A : i32
      %sign3A_57 = arith.extui %sign3A_56 : i1 to i32
      %sign3A_58 = arith.constant 0 : i32
      %sign3A_59 = arith.cmpi slt, %scan3A_54, %sign3A_58 : i32
      %sign3A_60 = arith.extui %sign3A_59 : i1 to i32
      %sign3A_61 = arith.subi %sign3A_57, %sign3A_60 : i32
      %sign3A_62 = arith.constant 0 : i32
      %sign3A_63 = arith.cmpi sgt, %jit3A, %sign3A_62 : i32
      %sign3A_64 = arith.extui %sign3A_63 : i1 to i32
      %sign3A_65 = arith.constant 0 : i32
      %sign3A_66 = arith.cmpi slt, %jit3A, %sign3A_65 : i32
      %sign3A_67 = arith.extui %sign3A_66 : i1 to i32
      %sign3A_68 = arith.subi %sign3A_64, %sign3A_67 : i32
      %ne3A = arith.cmpi ne, %sign3A_61, %sign3A_68 : i32
      %rem3A = arith.remsi %scan3A_54, %jit3A : i32
      %ne3A_69 = arith.constant 0 : i32
      %ne3A_70 = arith.cmpi ne, %rem3A, %ne3A_69 : i32
      %and3A = arith.andi %ne3A, %ne3A_70 : i1
      %sub3A = arith.constant 1 : i32
      %sub3A_71 = arith.subi %div3A, %sub3A : i32
      %select_n3A = arith.select %and3A, %sub3A_71, %div3A : i32
      %jit3A_72 = arith.constant 4 : i32
      %eq3A = arith.constant 0 : i32
      %eq3A_73 = arith.cmpi eq, %jit3A_72, %eq3A : i32
      %jit3A_74 = arith.constant 1 : i32
      %select_n3A_75 = arith.select %eq3A_73, %jit3A_74, %jit3A_72 : i32
      %rem3A_76 = arith.remsi %scan3A_54, %select_n3A_75 : i32
      %ne3A_77 = arith.constant 0 : i32
      %ne3A_78 = arith.cmpi ne, %rem3A_76, %ne3A_77 : i32
      %lt3A = arith.constant 0 : i32
      %lt3A_79 = arith.cmpi slt, %rem3A_76, %lt3A : i32
      %lt3A_80 = arith.constant 0 : i32
      %lt3A_81 = arith.cmpi slt, %select_n3A_75, %lt3A_80 : i32
      %ne3A_82 = arith.xori %lt3A_79, %lt3A_81 : i1
      %and3A_83 = arith.andi %ne3A_82, %ne3A_78 : i1
      %add3A_84 = arith.addi %rem3A_76, %select_n3A_75 : i32
      %select_n3A_85 = arith.select %and3A_83, %add3A_84, %rem3A_76 : i32
      %jit3A_86 = arith.constant 2 : i32
      %eq3A_87 = arith.constant 0 : i32
      %eq3A_88 = arith.cmpi eq, %jit3A_86, %eq3A_87 : i32
      %jit3A_89 = arith.constant 1 : i32
      %select_n3A_90 = arith.select %eq3A_88, %jit3A_89, %jit3A_86 : i32
      %rem3A_91 = arith.remsi %scan3A_54, %select_n3A_90 : i32
      %ne3A_92 = arith.constant 0 : i32
      %ne3A_93 = arith.cmpi ne, %rem3A_91, %ne3A_92 : i32
      %lt3A_94 = arith.constant 0 : i32
      %lt3A_95 = arith.cmpi slt, %rem3A_91, %lt3A_94 : i32
      %lt3A_96 = arith.constant 0 : i32
      %lt3A_97 = arith.cmpi slt, %select_n3A_90, %lt3A_96 : i32
      %ne3A_98 = arith.xori %lt3A_95, %lt3A_97 : i1
      %and3A_99 = arith.andi %ne3A_98, %ne3A_93 : i1
      %add3A_100 = arith.addi %rem3A_91, %select_n3A_90 : i32
      %select_n3A_101 = arith.select %and3A_99, %add3A_100, %rem3A_91 : i32
      %eq3A_102 = arith.constant 0 : i32
      %eq3A_103 = arith.cmpi eq, %select_n3A_101, %eq3A_102 : i32
      %convert_element_type3A = arith.extui %eq3A_103 : i1 to i32
      %cond3A = arith.constant 0 : i32
      %cond3A_104 = arith.cmpi ne, %convert_element_type3A, %cond3A : i32
      scf.if %cond3A_104 {
        %jit3A_127 = arith.constant 4 : i32
        %div3A_128 = arith.divsi %scan3A_54, %jit3A_127 : i32
        %sign3A_129 = arith.constant 0 : i32
        %sign3A_130 = arith.cmpi sgt, %scan3A_54, %sign3A_129 : i32
        %sign3A_131 = arith.extui %sign3A_130 : i1 to i32
        %sign3A_132 = arith.constant 0 : i32
        %sign3A_133 = arith.cmpi slt, %scan3A_54, %sign3A_132 : i32
        %sign3A_134 = arith.extui %sign3A_133 : i1 to i32
        %sign3A_135 = arith.subi %sign3A_131, %sign3A_134 : i32
        %sign3A_136 = arith.constant 0 : i32
        %sign3A_137 = arith.cmpi sgt, %jit3A_127, %sign3A_136 : i32
        %sign3A_138 = arith.extui %sign3A_137 : i1 to i32
        %sign3A_139 = arith.constant 0 : i32
        %sign3A_140 = arith.cmpi slt, %jit3A_127, %sign3A_139 : i32
        %sign3A_141 = arith.extui %sign3A_140 : i1 to i32
        %sign3A_142 = arith.subi %sign3A_138, %sign3A_141 : i32
        %ne3A_143 = arith.cmpi ne, %sign3A_135, %sign3A_142 : i32
        %rem3A_144 = arith.remsi %scan3A_54, %jit3A_127 : i32
        %ne3A_145 = arith.constant 0 : i32
        %ne3A_146 = arith.cmpi ne, %rem3A_144, %ne3A_145 : i32
        %and3A_147 = arith.andi %ne3A_143, %ne3A_146 : i1
        %sub3A_148 = arith.constant 1 : i32
        %sub3A_149 = arith.subi %div3A_128, %sub3A_148 : i32
        %select_n3A_150 = arith.select %and3A_147, %sub3A_149, %div3A_128 : i32
        %jit3A_151 = arith.constant 4 : i32
        %eq3A_152 = arith.constant 0 : i32
        %eq3A_153 = arith.cmpi eq, %jit3A_151, %eq3A_152 : i32
        %jit3A_154 = arith.constant 1 : i32
        %select_n3A_155 = arith.select %eq3A_153, %jit3A_154, %jit3A_151 : i32
        %rem3A_156 = arith.remsi %scan3A_54, %select_n3A_155 : i32
        %ne3A_157 = arith.constant 0 : i32
        %ne3A_158 = arith.cmpi ne, %rem3A_156, %ne3A_157 : i32
        %lt3A_159 = arith.constant 0 : i32
        %lt3A_160 = arith.cmpi slt, %rem3A_156, %lt3A_159 : i32
        %lt3A_161 = arith.constant 0 : i32
        %lt3A_162 = arith.cmpi slt, %select_n3A_155, %lt3A_161 : i32
        %ne3A_163 = arith.xori %lt3A_160, %lt3A_162 : i1
        %and3A_164 = arith.andi %ne3A_163, %ne3A_158 : i1
        %add3A_165 = arith.addi %rem3A_156, %select_n3A_155 : i32
        %select_n3A_166 = arith.select %and3A_164, %add3A_165, %rem3A_156 : i32
        %mul3A_167 = arith.constant 4096 : i32
        %mul3A_168 = arith.muli %select_n3A_166, %mul3A_167 : i32
        %dma_wait3A_169 = arith.constant 0 : i32
        %dma_wait3A_170 = arith.constant 0 : i32
        %dma_wait3A_171 = tpu.memref_slice %arg6[%dma_wait3A_169, %dma_wait3A_170] : memref<2x4096xi32, #tpu.memory_space<vmem>> -> memref<1x4096xi32, #tpu.memory_space<vmem>>
        %dma_wait3A_172 = tpu.memref_squeeze %dma_wait3A_171 : memref<1x4096xi32, #tpu.memory_space<vmem>> -> memref<4096xi32, #tpu.memory_space<vmem>>
        %dma_wait3A_173 = tpu.memref_slice %arg3[%select_n3A_150, %mul3A_168] : memref<26x16384xi32, #tpu.memory_space<hbm>> -> memref<1x4096xi32, #tpu.memory_space<hbm>>
        %dma_wait3A_174 = tpu.memref_squeeze %dma_wait3A_173 : memref<1x4096xi32, #tpu.memory_space<hbm>> -> memref<4096xi32, #tpu.memory_space<hbm>>
        %dma_wait3A_175 = arith.constant 0 : i32
        %dma_wait3A_176 = tpu.memref_slice %arg6[%dma_wait3A_169, %dma_wait3A_175] : memref<2x4096xi32, #tpu.memory_space<vmem>> -> memref<1x4096xi32, #tpu.memory_space<vmem>>
        %dma_wait3A_177 = tpu.memref_squeeze %dma_wait3A_176 : memref<1x4096xi32, #tpu.memory_space<vmem>> -> memref<4096xi32, #tpu.memory_space<vmem>>
        %dma_wait3A_178 = tpu.memref_slice %arg3[%select_n3A_150, %mul3A_168] : memref<26x16384xi32, #tpu.memory_space<hbm>> -> memref<1x4096xi32, #tpu.memory_space<hbm>>
        %dma_wait3A_179 = tpu.memref_squeeze %dma_wait3A_178 : memref<1x4096xi32, #tpu.memory_space<hbm>> -> memref<4096xi32, #tpu.memory_space<hbm>>
        tpu.wait_dma2 semaphore(%arg9 : memref<!tpu.dma_semaphore, #tpu.memory_space<semaphore_mem>>) src(%dma_wait3A_179 : memref<4096xi32, #tpu.memory_space<hbm>>) dst(%dma_wait3A_177 : memref<4096xi32, #tpu.memory_space<vmem>>)
        %eq3A_180 = arith.constant 0 : i32
        %eq3A_181 = arith.cmpi eq, %select_n3A_85, %eq3A_180 : i32
        %convert_element_type3A_182 = arith.extui %eq3A_181 : i1 to i32
        %cond3A_183 = arith.constant 0 : i32
        %cond3A_184 = arith.cmpi ne, %convert_element_type3A_182, %cond3A_183 : i32
        scf.if %cond3A_184 {
          %dma_wait3A_261 = arith.constant 0 : i32
          %dma_wait3A_262 = tpu.memref_slice %arg2[%select_n3A, %add3A, %dma_wait3A_261] : memref<26x32x100001xf32, #tpu.memory_space<hbm>> -> memref<1x1x100001xf32, #tpu.memory_space<hbm>>
          %dma_wait3A_263 = tpu.memref_squeeze %dma_wait3A_262 : memref<1x1x100001xf32, #tpu.memory_space<hbm>> -> memref<100001xf32, #tpu.memory_space<hbm>>
          %dma_wait3A_264 = arith.constant 0 : i32
          %dma_wait3A_265 = tpu.memref_slice %arg2[%select_n3A, %add3A, %dma_wait3A_264] : memref<26x32x100001xf32, #tpu.memory_space<hbm>> -> memref<1x1x100001xf32, #tpu.memory_space<hbm>>
          %dma_wait3A_266 = tpu.memref_squeeze %dma_wait3A_265 : memref<1x1x100001xf32, #tpu.memory_space<hbm>> -> memref<100001xf32, #tpu.memory_space<hbm>>
          tpu.wait_dma2 semaphore(%arg8 : memref<!tpu.dma_semaphore, #tpu.memory_space<semaphore_mem>>) src(%dma_wait3A_266 : memref<100001xf32, #tpu.memory_space<hbm>>) dst(%arg5 : memref<100001xf32, #tpu.memory_space<vmem>>)
        } else {
        }
        %add3A_185 = arith.constant 1 : i32
        %add3A_186 = arith.addi %scan3A_54, %add3A_185 : i32
        %lt3A_187 = arith.constant 104 : i32
        %lt3A_188 = arith.cmpi slt, %add3A_186, %lt3A_187 : i32
        %convert_element_type3A_189 = arith.extui %lt3A_188 : i1 to i32
        %cond3A_190 = arith.constant 0 : i32
        %cond3A_191 = arith.cmpi ne, %convert_element_type3A_189, %cond3A_190 : i32
        scf.if %cond3A_191 {
          %add3A_261 = arith.constant 1 : i32
          %add3A_262 = arith.addi %scan3A_54, %add3A_261 : i32
          %jit3A_263 = arith.constant 4 : i32
          %div3A_264 = arith.divsi %add3A_262, %jit3A_263 : i32
          %sign3A_265 = arith.constant 0 : i32
          %sign3A_266 = arith.cmpi sgt, %add3A_262, %sign3A_265 : i32
          %sign3A_267 = arith.extui %sign3A_266 : i1 to i32
          %sign3A_268 = arith.constant 0 : i32
          %sign3A_269 = arith.cmpi slt, %add3A_262, %sign3A_268 : i32
          %sign3A_270 = arith.extui %sign3A_269 : i1 to i32
          %sign3A_271 = arith.subi %sign3A_267, %sign3A_270 : i32
          %sign3A_272 = arith.constant 0 : i32
          %sign3A_273 = arith.cmpi sgt, %jit3A_263, %sign3A_272 : i32
          %sign3A_274 = arith.extui %sign3A_273 : i1 to i32
          %sign3A_275 = arith.constant 0 : i32
          %sign3A_276 = arith.cmpi slt, %jit3A_263, %sign3A_275 : i32
          %sign3A_277 = arith.extui %sign3A_276 : i1 to i32
          %sign3A_278 = arith.subi %sign3A_274, %sign3A_277 : i32
          %ne3A_279 = arith.cmpi ne, %sign3A_271, %sign3A_278 : i32
          %rem3A_280 = arith.remsi %add3A_262, %jit3A_263 : i32
          %ne3A_281 = arith.constant 0 : i32
          %ne3A_282 = arith.cmpi ne, %rem3A_280, %ne3A_281 : i32
          %and3A_283 = arith.andi %ne3A_279, %ne3A_282 : i1
          %sub3A_284 = arith.constant 1 : i32
          %sub3A_285 = arith.subi %div3A_264, %sub3A_284 : i32
          %select_n3A_286 = arith.select %and3A_283, %sub3A_285, %div3A_264 : i32
          %jit3A_287 = arith.constant 4 : i32
          %eq3A_288 = arith.constant 0 : i32
          %eq3A_289 = arith.cmpi eq, %jit3A_287, %eq3A_288 : i32
          %jit3A_290 = arith.constant 1 : i32
          %select_n3A_291 = arith.select %eq3A_289, %jit3A_290, %jit3A_287 : i32
          %rem3A_292 = arith.remsi %add3A_262, %select_n3A_291 : i32
          %ne3A_293 = arith.constant 0 : i32
          %ne3A_294 = arith.cmpi ne, %rem3A_292, %ne3A_293 : i32
          %lt3A_295 = arith.constant 0 : i32
          %lt3A_296 = arith.cmpi slt, %rem3A_292, %lt3A_295 : i32
          %lt3A_297 = arith.constant 0 : i32
          %lt3A_298 = arith.cmpi slt, %select_n3A_291, %lt3A_297 : i32
          %ne3A_299 = arith.xori %lt3A_296, %lt3A_298 : i1
          %and3A_300 = arith.andi %ne3A_299, %ne3A_294 : i1
          %add3A_301 = arith.addi %rem3A_292, %select_n3A_291 : i32
          %select_n3A_302 = arith.select %and3A_300, %add3A_301, %rem3A_292 : i32
          %mul3A_303 = arith.constant 4096 : i32
          %mul3A_304 = arith.muli %select_n3A_302, %mul3A_303 : i32
          %dma_start3A_305 = arith.constant 1 : i32
          %dma_start3A_306 = arith.constant 0 : i32
          %dma_start3A_307 = tpu.memref_slice %arg6[%dma_start3A_305, %dma_start3A_306] : memref<2x4096xi32, #tpu.memory_space<vmem>> -> memref<1x4096xi32, #tpu.memory_space<vmem>>
          %dma_start3A_308 = tpu.memref_squeeze %dma_start3A_307 : memref<1x4096xi32, #tpu.memory_space<vmem>> -> memref<4096xi32, #tpu.memory_space<vmem>>
          %dma_start3A_309 = tpu.memref_slice %arg3[%select_n3A_286, %mul3A_304] : memref<26x16384xi32, #tpu.memory_space<hbm>> -> memref<1x4096xi32, #tpu.memory_space<hbm>>
          %dma_start3A_310 = tpu.memref_squeeze %dma_start3A_309 : memref<1x4096xi32, #tpu.memory_space<hbm>> -> memref<4096xi32, #tpu.memory_space<hbm>>
          %dma_start3A_311 = arith.constant 0 : i32
          %dma_start3A_312 = tpu.memref_slice %arg6[%dma_start3A_305, %dma_start3A_311] : memref<2x4096xi32, #tpu.memory_space<vmem>> -> memref<1x4096xi32, #tpu.memory_space<vmem>>
          %dma_start3A_313 = tpu.memref_squeeze %dma_start3A_312 : memref<1x4096xi32, #tpu.memory_space<vmem>> -> memref<4096xi32, #tpu.memory_space<vmem>>
          %dma_start3A_314 = tpu.memref_slice %arg3[%select_n3A_286, %mul3A_304] : memref<26x16384xi32, #tpu.memory_space<hbm>> -> memref<1x4096xi32, #tpu.memory_space<hbm>>
          %dma_start3A_315 = tpu.memref_squeeze %dma_start3A_314 : memref<1x4096xi32, #tpu.memory_space<hbm>> -> memref<4096xi32, #tpu.memory_space<hbm>>
          tpu.enqueue_dma source(%dma_start3A_315 : memref<4096xi32, #tpu.memory_space<hbm>>) target(%dma_start3A_313 : memref<4096xi32, #tpu.memory_space<vmem>>) target_semaphore(%arg10 : memref<!tpu.dma_semaphore, #tpu.memory_space<semaphore_mem>>)
        } else {
        }
        %ge3A = arith.constant 2 : i32
        %ge3A_192 = arith.cmpi sge, %scan3A_54, %ge3A : i32
        %convert_element_type3A_193 = arith.extui %ge3A_192 : i1 to i32
        %cond3A_194 = arith.constant 0 : i32
        %cond3A_195 = arith.cmpi ne, %convert_element_type3A_193, %cond3A_194 : i32
        scf.if %cond3A_195 {
          %sub3A_261 = arith.constant 2 : i32
          %sub3A_262 = arith.subi %scan3A_54, %sub3A_261 : i32
          %jit3A_263 = arith.constant 4 : i32
          %div3A_264 = arith.divsi %sub3A_262, %jit3A_263 : i32
          %sign3A_265 = arith.constant 0 : i32
          %sign3A_266 = arith.cmpi sgt, %sub3A_262, %sign3A_265 : i32
          %sign3A_267 = arith.extui %sign3A_266 : i1 to i32
          %sign3A_268 = arith.constant 0 : i32
          %sign3A_269 = arith.cmpi slt, %sub3A_262, %sign3A_268 : i32
          %sign3A_270 = arith.extui %sign3A_269 : i1 to i32
          %sign3A_271 = arith.subi %sign3A_267, %sign3A_270 : i32
          %sign3A_272 = arith.constant 0 : i32
          %sign3A_273 = arith.cmpi sgt, %jit3A_263, %sign3A_272 : i32
          %sign3A_274 = arith.extui %sign3A_273 : i1 to i32
          %sign3A_275 = arith.constant 0 : i32
          %sign3A_276 = arith.cmpi slt, %jit3A_263, %sign3A_275 : i32
          %sign3A_277 = arith.extui %sign3A_276 : i1 to i32
          %sign3A_278 = arith.subi %sign3A_274, %sign3A_277 : i32
          %ne3A_279 = arith.cmpi ne, %sign3A_271, %sign3A_278 : i32
          %rem3A_280 = arith.remsi %sub3A_262, %jit3A_263 : i32
          %ne3A_281 = arith.constant 0 : i32
          %ne3A_282 = arith.cmpi ne, %rem3A_280, %ne3A_281 : i32
          %and3A_283 = arith.andi %ne3A_279, %ne3A_282 : i1
          %sub3A_284 = arith.constant 1 : i32
          %sub3A_285 = arith.subi %div3A_264, %sub3A_284 : i32
          %select_n3A_286 = arith.select %and3A_283, %sub3A_285, %div3A_264 : i32
          %jit3A_287 = arith.constant 4 : i32
          %eq3A_288 = arith.constant 0 : i32
          %eq3A_289 = arith.cmpi eq, %jit3A_287, %eq3A_288 : i32
          %jit3A_290 = arith.constant 1 : i32
          %select_n3A_291 = arith.select %eq3A_289, %jit3A_290, %jit3A_287 : i32
          %rem3A_292 = arith.remsi %sub3A_262, %select_n3A_291 : i32
          %ne3A_293 = arith.constant 0 : i32
          %ne3A_294 = arith.cmpi ne, %rem3A_292, %ne3A_293 : i32
          %lt3A_295 = arith.constant 0 : i32
          %lt3A_296 = arith.cmpi slt, %rem3A_292, %lt3A_295 : i32
          %lt3A_297 = arith.constant 0 : i32
          %lt3A_298 = arith.cmpi slt, %select_n3A_291, %lt3A_297 : i32
          %ne3A_299 = arith.xori %lt3A_296, %lt3A_298 : i1
          %and3A_300 = arith.andi %ne3A_299, %ne3A_294 : i1
          %add3A_301 = arith.addi %rem3A_292, %select_n3A_291 : i32
          %select_n3A_302 = arith.select %and3A_300, %add3A_301, %rem3A_292 : i32
          %mul3A_303 = arith.constant 4096 : i32
          %mul3A_304 = arith.muli %select_n3A_302, %mul3A_303 : i32
          %dma_wait3A_305 = arith.constant 0 : i32
          %dma_wait3A_306 = arith.constant 0 : i32
          %dma_wait3A_307 = tpu.memref_slice %arg7[%dma_wait3A_305, %dma_wait3A_306] : memref<2x4096xf32, #tpu.memory_space<vmem>> -> memref<1x4096xf32, #tpu.memory_space<vmem>>
          %dma_wait3A_308 = tpu.memref_squeeze %dma_wait3A_307 : memref<1x4096xf32, #tpu.memory_space<vmem>> -> memref<4096xf32, #tpu.memory_space<vmem>>
          %dma_wait3A_309 = tpu.memref_slice %arg4[%select_n3A_286, %add3A, %mul3A_304] : memref<26x32x16384xf32, #tpu.memory_space<hbm>> -> memref<1x1x4096xf32, #tpu.memory_space<hbm>>
          %dma_wait3A_310 = tpu.memref_squeeze %dma_wait3A_309 : memref<1x1x4096xf32, #tpu.memory_space<hbm>> -> memref<4096xf32, #tpu.memory_space<hbm>>
          %dma_wait3A_311 = tpu.memref_slice %arg4[%select_n3A_286, %add3A, %mul3A_304] : memref<26x32x16384xf32, #tpu.memory_space<hbm>> -> memref<1x1x4096xf32, #tpu.memory_space<hbm>>
          %dma_wait3A_312 = tpu.memref_squeeze %dma_wait3A_311 : memref<1x1x4096xf32, #tpu.memory_space<hbm>> -> memref<4096xf32, #tpu.memory_space<hbm>>
          %dma_wait3A_313 = arith.constant 0 : i32
          %dma_wait3A_314 = tpu.memref_slice %arg7[%dma_wait3A_305, %dma_wait3A_313] : memref<2x4096xf32, #tpu.memory_space<vmem>> -> memref<1x4096xf32, #tpu.memory_space<vmem>>
          %dma_wait3A_315 = tpu.memref_squeeze %dma_wait3A_314 : memref<1x4096xf32, #tpu.memory_space<vmem>> -> memref<4096xf32, #tpu.memory_space<vmem>>
          tpu.wait_dma2 semaphore(%arg11 : memref<!tpu.dma_semaphore, #tpu.memory_space<semaphore_mem>>) src(%dma_wait3A_315 : memref<4096xf32, #tpu.memory_space<vmem>>) dst(%dma_wait3A_312 : memref<4096xf32, #tpu.memory_space<hbm>>)
        } else {
        }
        %parallel_loop3A = arith.constant 0 : i32
        %parallel_loop3A_196 = arith.constant 4096 : i32
        %parallel_loop3A_197 = arith.constant 16 : i32
        scf.for %parallel_loop3A_261 = %parallel_loop3A to %parallel_loop3A_196 step %parallel_loop3A_197  : i32 {
          %parallel_loop3A_262 = arith.constant 0 : i32
          %parallel_loop3A_263 = arith.index_cast %parallel_loop3A_262 : i32 to index
          %parallel_loop3A_264 = arith.index_cast %parallel_loop3A_261 : i32 to index
          %parallel_loop3A_265 = tpu.vector_load %arg6[%parallel_loop3A_263, %parallel_loop3A_264] {strides = array<i32>} : memref<2x4096xi32, #tpu.memory_space<vmem>>, vector<16xi32>,
          %parallel_loop3A_266 = tpu.vector_load_idx %arg5[%parallel_loop3A_265] : memref<100001xf32, #tpu.memory_space<vmem>>[vector<16xi32>], vector<16xf32>,
          %parallel_loop3A_267 = arith.constant 0 : i32
          %parallel_loop3A_268 = arith.index_cast %parallel_loop3A_267 : i32 to index
          %parallel_loop3A_269 = arith.index_cast %parallel_loop3A_261 : i32 to index
          %parallel_loop3A_270 = tpu.vector_load %arg7[%parallel_loop3A_268, %parallel_loop3A_269] {strides = array<i32>} : memref<2x4096xf32, #tpu.memory_space<vmem>>, vector<16xf32>,
          tpu.vector_store %arg7[%parallel_loop3A_268, %parallel_loop3A_269], %parallel_loop3A_266 {strides = array<i32>} : memref<2x4096xf32, #tpu.memory_space<vmem>>, vector<16xf32>,
        } {sc.loop_unroll_factor = 16 : i64, sc.parallel_access}
        %eq3A_198 = arith.constant 3 : i32
        %eq3A_199 = arith.cmpi eq, %select_n3A_85, %eq3A_198 : i32
        %add3A_200 = arith.constant 1 : i32
        %add3A_201 = arith.addi %select_n3A, %add3A_200 : i32
        %lt3A_202 = arith.constant 26 : i32
        %lt3A_203 = arith.cmpi slt, %add3A_201, %lt3A_202 : i32
        %and3A_204 = arith.andi %eq3A_199, %lt3A_203 : i1
        %convert_element_type3A_205 = arith.extui %and3A_204 : i1 to i32
        %cond3A_206 = arith.constant 0 : i32
        %cond3A_207 = arith.cmpi ne, %convert_element_type3A_205, %cond3A_206 : i32
        scf.if %cond3A_207 {
          %add3A_261 = arith.constant 1 : i32
          %add3A_262 = arith.addi %select_n3A, %add3A_261 : i32
          %dma_start3A_263 = arith.constant 0 : i32
          %dma_start3A_264 = tpu.memref_slice %arg2[%add3A_262, %add3A, %dma_start3A_263] : memref<26x32x100001xf32, #tpu.memory_space<hbm>> -> memref<1x1x100001xf32, #tpu.memory_space<hbm>>
          %dma_start3A_265 = tpu.memref_squeeze %dma_start3A_264 : memref<1x1x100001xf32, #tpu.memory_space<hbm>> -> memref<100001xf32, #tpu.memory_space<hbm>>
          %dma_start3A_266 = arith.constant 0 : i32
          %dma_start3A_267 = tpu.memref_slice %arg2[%add3A_262, %add3A, %dma_start3A_266] : memref<26x32x100001xf32, #tpu.memory_space<hbm>> -> memref<1x1x100001xf32, #tpu.memory_space<hbm>>
          %dma_start3A_268 = tpu.memref_squeeze %dma_start3A_267 : memref<1x1x100001xf32, #tpu.memory_space<hbm>> -> memref<100001xf32, #tpu.memory_space<hbm>>
          tpu.enqueue_dma source(%dma_start3A_268 : memref<100001xf32, #tpu.memory_space<hbm>>) target(%arg5 : memref<100001xf32, #tpu.memory_space<vmem>>) target_semaphore(%arg8 : memref<!tpu.dma_semaphore, #tpu.memory_space<semaphore_mem>>)
        } else {
        }
        %jit3A_208 = arith.constant 4 : i32
        %div3A_209 = arith.divsi %scan3A_54, %jit3A_208 : i32
        %sign3A_210 = arith.constant 0 : i32
        %sign3A_211 = arith.cmpi sgt, %scan3A_54, %sign3A_210 : i32
        %sign3A_212 = arith.extui %sign3A_211 : i1 to i32
        %sign3A_213 = arith.constant 0 : i32
        %sign3A_214 = arith.cmpi slt, %scan3A_54, %sign3A_213 : i32
        %sign3A_215 = arith.extui %sign3A_214 : i1 to i32
        %sign3A_216 = arith.subi %sign3A_212, %sign3A_215 : i32
        %sign3A_217 = arith.constant 0 : i32
        %sign3A_218 = arith.cmpi sgt, %jit3A_208, %sign3A_217 : i32
        %sign3A_219 = arith.extui %sign3A_218 : i1 to i32
        %sign3A_220 = arith.constant 0 : i32
        %sign3A_221 = arith.cmpi slt, %jit3A_208, %sign3A_220 : i32
        %sign3A_222 = arith.extui %sign3A_221 : i1 to i32
        %sign3A_223 = arith.subi %sign3A_219, %sign3A_222 : i32
        %ne3A_224 = arith.cmpi ne, %sign3A_216, %sign3A_223 : i32
        %rem3A_225 = arith.remsi %scan3A_54, %jit3A_208 : i32
        %ne3A_226 = arith.constant 0 : i32
        %ne3A_227 = arith.cmpi ne, %rem3A_225, %ne3A_226 : i32
        %and3A_228 = arith.andi %ne3A_224, %ne3A_227 : i1
        %sub3A_229 = arith.constant 1 : i32
        %sub3A_230 = arith.subi %div3A_209, %sub3A_229 : i32
        %select_n3A_231 = arith.select %and3A_228, %sub3A_230, %div3A_209 : i32
        %jit3A_232 = arith.constant 4 : i32
        %eq3A_233 = arith.constant 0 : i32
        %eq3A_234 = arith.cmpi eq, %jit3A_232, %eq3A_233 : i32
        %jit3A_235 = arith.constant 1 : i32
        %select_n3A_236 = arith.select %eq3A_234, %jit3A_235, %jit3A_232 : i32
        %rem3A_237 = arith.remsi %scan3A_54, %select_n3A_236 : i32
        %ne3A_238 = arith.constant 0 : i32
        %ne3A_239 = arith.cmpi ne, %rem3A_237, %ne3A_238 : i32
        %lt3A_240 = arith.constant 0 : i32
        %lt3A_241 = arith.cmpi slt, %rem3A_237, %lt3A_240 : i32
        %lt3A_242 = arith.constant 0 : i32
        %lt3A_243 = arith.cmpi slt, %select_n3A_236, %lt3A_242 : i32
        %ne3A_244 = arith.xori %lt3A_241, %lt3A_243 : i1
        %and3A_245 = arith.andi %ne3A_244, %ne3A_239 : i1
        %add3A_246 = arith.addi %rem3A_237, %select_n3A_236 : i32
        %select_n3A_247 = arith.select %and3A_245, %add3A_246, %rem3A_237 : i32
        %mul3A_248 = arith.constant 4096 : i32
        %mul3A_249 = arith.muli %select_n3A_247, %mul3A_248 : i32
        %dma_start3A_250 = arith.constant 0 : i32
        %dma_start3A_251 = arith.constant 0 : i32
        %dma_start3A_252 = tpu.memref_slice %arg7[%dma_start3A_250, %dma_start3A_251] : memref<2x4096xf32, #tpu.memory_space<vmem>> -> memref<1x4096xf32, #tpu.memory_space<vmem>>
        %dma_start3A_253 = tpu.memref_squeeze %dma_start3A_252 : memref<1x4096xf32, #tpu.memory_space<vmem>> -> memref<4096xf32, #tpu.memory_space<vmem>>
        %dma_start3A_254 = tpu.memref_slice %arg4[%select_n3A_231, %add3A, %mul3A_249] : memref<26x32x16384xf32, #tpu.memory_space<hbm>> -> memref<1x1x4096xf32, #tpu.memory_space<hbm>>
        %dma_start3A_255 = tpu.memref_squeeze %dma_start3A_254 : memref<1x1x4096xf32, #tpu.memory_space<hbm>> -> memref<4096xf32, #tpu.memory_space<hbm>>
        %dma_start3A_256 = tpu.memref_slice %arg4[%select_n3A_231, %add3A, %mul3A_249] : memref<26x32x16384xf32, #tpu.memory_space<hbm>> -> memref<1x1x4096xf32, #tpu.memory_space<hbm>>
        %dma_start3A_257 = tpu.memref_squeeze %dma_start3A_256 : memref<1x1x4096xf32, #tpu.memory_space<hbm>> -> memref<4096xf32, #tpu.memory_space<hbm>>
        %dma_start3A_258 = arith.constant 0 : i32
        %dma_start3A_259 = tpu.memref_slice %arg7[%dma_start3A_250, %dma_start3A_258] : memref<2x4096xf32, #tpu.memory_space<vmem>> -> memref<1x4096xf32, #tpu.memory_space<vmem>>
        %dma_start3A_260 = tpu.memref_squeeze %dma_start3A_259 : memref<1x4096xf32, #tpu.memory_space<vmem>> -> memref<4096xf32, #tpu.memory_space<vmem>>
        tpu.enqueue_dma source(%dma_start3A_260 : memref<4096xf32, #tpu.memory_space<vmem>>) target(%dma_start3A_257 : memref<4096xf32, #tpu.memory_space<hbm>>) target_semaphore(%arg11 : memref<!tpu.dma_semaphore, #tpu.memory_space<semaphore_mem>>)
      } else {
      }
      %jit3A_105 = arith.constant 2 : i32
      %eq3A_106 = arith.constant 0 : i32
      %eq3A_107 = arith.cmpi eq, %jit3A_105, %eq3A_106 : i32
      %jit3A_108 = arith.constant 1 : i32
      %select_n3A_109 = arith.select %eq3A_107, %jit3A_108, %jit3A_105 : i32
      %rem3A_110 = arith.remsi %scan3A_54, %select_n3A_109 : i32
      %ne3A_111 = arith.constant 0 : i32
      %ne3A_112 = arith.cmpi ne, %rem3A_110, %ne3A_111 : i32
      %lt3A_113 = arith.constant 0 : i32
      %lt3A_114 = arith.cmpi slt, %rem3A_110, %lt3A_113 : i32
      %lt3A_115 = arith.constant 0 : i32
      %lt3A_116 = arith.cmpi slt, %select_n3A_109, %lt3A_115 : i32
      %ne3A_117 = arith.xori %lt3A_114, %lt3A_116 : i1
      %and3A_118 = arith.andi %ne3A_117, %ne3A_112 : i1
      %add3A_119 = arith.addi %rem3A_110, %select_n3A_109 : i32
      %select_n3A_120 = arith.select %and3A_118, %add3A_119, %rem3A_110 : i32
      %eq3A_121 = arith.constant 1 : i32
      %eq3A_122 = arith.cmpi eq, %select_n3A_120, %eq3A_121 : i32
      %convert_element_type3A_123 = arith.extui %eq3A_122 : i1 to i32
      %cond3A_124 = arith.constant 0 : i32
      %cond3A_125 = arith.cmpi ne, %convert_element_type3A_123, %cond3A_124 : i32
      scf.if %cond3A_125 {
        %jit3A_127 = arith.constant 4 : i32
        %div3A_128 = arith.divsi %scan3A_54, %jit3A_127 : i32
        %sign3A_129 = arith.constant 0 : i32
        %sign3A_130 = arith.cmpi sgt, %scan3A_54, %sign3A_129 : i32
        %sign3A_131 = arith.extui %sign3A_130 : i1 to i32
        %sign3A_132 = arith.constant 0 : i32
        %sign3A_133 = arith.cmpi slt, %scan3A_54, %sign3A_132 : i32
        %sign3A_134 = arith.extui %sign3A_133 : i1 to i32
        %sign3A_135 = arith.subi %sign3A_131, %sign3A_134 : i32
        %sign3A_136 = arith.constant 0 : i32
        %sign3A_137 = arith.cmpi sgt, %jit3A_127, %sign3A_136 : i32
        %sign3A_138 = arith.extui %sign3A_137 : i1 to i32
        %sign3A_139 = arith.constant 0 : i32
        %sign3A_140 = arith.cmpi slt, %jit3A_127, %sign3A_139 : i32
        %sign3A_141 = arith.extui %sign3A_140 : i1 to i32
        %sign3A_142 = arith.subi %sign3A_138, %sign3A_141 : i32
        %ne3A_143 = arith.cmpi ne, %sign3A_135, %sign3A_142 : i32
        %rem3A_144 = arith.remsi %scan3A_54, %jit3A_127 : i32
        %ne3A_145 = arith.constant 0 : i32
        %ne3A_146 = arith.cmpi ne, %rem3A_144, %ne3A_145 : i32
        %and3A_147 = arith.andi %ne3A_143, %ne3A_146 : i1
        %sub3A_148 = arith.constant 1 : i32
        %sub3A_149 = arith.subi %div3A_128, %sub3A_148 : i32
        %select_n3A_150 = arith.select %and3A_147, %sub3A_149, %div3A_128 : i32
        %jit3A_151 = arith.constant 4 : i32
        %eq3A_152 = arith.constant 0 : i32
        %eq3A_153 = arith.cmpi eq, %jit3A_151, %eq3A_152 : i32
        %jit3A_154 = arith.constant 1 : i32
        %select_n3A_155 = arith.select %eq3A_153, %jit3A_154, %jit3A_151 : i32
        %rem3A_156 = arith.remsi %scan3A_54, %select_n3A_155 : i32
        %ne3A_157 = arith.constant 0 : i32
        %ne3A_158 = arith.cmpi ne, %rem3A_156, %ne3A_157 : i32
        %lt3A_159 = arith.constant 0 : i32
        %lt3A_160 = arith.cmpi slt, %rem3A_156, %lt3A_159 : i32
        %lt3A_161 = arith.constant 0 : i32
        %lt3A_162 = arith.cmpi slt, %select_n3A_155, %lt3A_161 : i32
        %ne3A_163 = arith.xori %lt3A_160, %lt3A_162 : i1
        %and3A_164 = arith.andi %ne3A_163, %ne3A_158 : i1
        %add3A_165 = arith.addi %rem3A_156, %select_n3A_155 : i32
        %select_n3A_166 = arith.select %and3A_164, %add3A_165, %rem3A_156 : i32
        %mul3A_167 = arith.constant 4096 : i32
        %mul3A_168 = arith.muli %select_n3A_166, %mul3A_167 : i32
        %dma_wait3A_169 = arith.constant 1 : i32
        %dma_wait3A_170 = arith.constant 0 : i32
        %dma_wait3A_171 = tpu.memref_slice %arg6[%dma_wait3A_169, %dma_wait3A_170] : memref<2x4096xi32, #tpu.memory_space<vmem>> -> memref<1x4096xi32, #tpu.memory_space<vmem>>
        %dma_wait3A_172 = tpu.memref_squeeze %dma_wait3A_171 : memref<1x4096xi32, #tpu.memory_space<vmem>> -> memref<4096xi32, #tpu.memory_space<vmem>>
        %dma_wait3A_173 = tpu.memref_slice %arg3[%select_n3A_150, %mul3A_168] : memref<26x16384xi32, #tpu.memory_space<hbm>> -> memref<1x4096xi32, #tpu.memory_space<hbm>>
        %dma_wait3A_174 = tpu.memref_squeeze %dma_wait3A_173 : memref<1x4096xi32, #tpu.memory_space<hbm>> -> memref<4096xi32, #tpu.memory_space<hbm>>
        %dma_wait3A_175 = arith.constant 0 : i32
        %dma_wait3A_176 = tpu.memref_slice %arg6[%dma_wait3A_169, %dma_wait3A_175] : memref<2x4096xi32, #tpu.memory_space<vmem>> -> memref<1x4096xi32, #tpu.memory_space<vmem>>
        %dma_wait3A_177 = tpu.memref_squeeze %dma_wait3A_176 : memref<1x4096xi32, #tpu.memory_space<vmem>> -> memref<4096xi32, #tpu.memory_space<vmem>>
        %dma_wait3A_178 = tpu.memref_slice %arg3[%select_n3A_150, %mul3A_168] : memref<26x16384xi32, #tpu.memory_space<hbm>> -> memref<1x4096xi32, #tpu.memory_space<hbm>>
        %dma_wait3A_179 = tpu.memref_squeeze %dma_wait3A_178 : memref<1x4096xi32, #tpu.memory_space<hbm>> -> memref<4096xi32, #tpu.memory_space<hbm>>
        tpu.wait_dma2 semaphore(%arg10 : memref<!tpu.dma_semaphore, #tpu.memory_space<semaphore_mem>>) src(%dma_wait3A_179 : memref<4096xi32, #tpu.memory_space<hbm>>) dst(%dma_wait3A_177 : memref<4096xi32, #tpu.memory_space<vmem>>)
        %eq3A_180 = arith.constant 0 : i32
        %eq3A_181 = arith.cmpi eq, %select_n3A_85, %eq3A_180 : i32
        %convert_element_type3A_182 = arith.extui %eq3A_181 : i1 to i32
        %cond3A_183 = arith.constant 0 : i32
        %cond3A_184 = arith.cmpi ne, %convert_element_type3A_182, %cond3A_183 : i32
        scf.if %cond3A_184 {
          %dma_wait3A_261 = arith.constant 0 : i32
          %dma_wait3A_262 = tpu.memref_slice %arg2[%select_n3A, %add3A, %dma_wait3A_261] : memref<26x32x100001xf32, #tpu.memory_space<hbm>> -> memref<1x1x100001xf32, #tpu.memory_space<hbm>>
          %dma_wait3A_263 = tpu.memref_squeeze %dma_wait3A_262 : memref<1x1x100001xf32, #tpu.memory_space<hbm>> -> memref<100001xf32, #tpu.memory_space<hbm>>
          %dma_wait3A_264 = arith.constant 0 : i32
          %dma_wait3A_265 = tpu.memref_slice %arg2[%select_n3A, %add3A, %dma_wait3A_264] : memref<26x32x100001xf32, #tpu.memory_space<hbm>> -> memref<1x1x100001xf32, #tpu.memory_space<hbm>>
          %dma_wait3A_266 = tpu.memref_squeeze %dma_wait3A_265 : memref<1x1x100001xf32, #tpu.memory_space<hbm>> -> memref<100001xf32, #tpu.memory_space<hbm>>
          tpu.wait_dma2 semaphore(%arg8 : memref<!tpu.dma_semaphore, #tpu.memory_space<semaphore_mem>>) src(%dma_wait3A_266 : memref<100001xf32, #tpu.memory_space<hbm>>) dst(%arg5 : memref<100001xf32, #tpu.memory_space<vmem>>)
        } else {
        }
        %add3A_185 = arith.constant 1 : i32
        %add3A_186 = arith.addi %scan3A_54, %add3A_185 : i32
        %lt3A_187 = arith.constant 104 : i32
        %lt3A_188 = arith.cmpi slt, %add3A_186, %lt3A_187 : i32
        %convert_element_type3A_189 = arith.extui %lt3A_188 : i1 to i32
        %cond3A_190 = arith.constant 0 : i32
        %cond3A_191 = arith.cmpi ne, %convert_element_type3A_189, %cond3A_190 : i32
        scf.if %cond3A_191 {
          %add3A_261 = arith.constant 1 : i32
          %add3A_262 = arith.addi %scan3A_54, %add3A_261 : i32
          %jit3A_263 = arith.constant 4 : i32
          %div3A_264 = arith.divsi %add3A_262, %jit3A_263 : i32
          %sign3A_265 = arith.constant 0 : i32
          %sign3A_266 = arith.cmpi sgt, %add3A_262, %sign3A_265 : i32
          %sign3A_267 = arith.extui %sign3A_266 : i1 to i32
          %sign3A_268 = arith.constant 0 : i32
          %sign3A_269 = arith.cmpi slt, %add3A_262, %sign3A_268 : i32
          %sign3A_270 = arith.extui %sign3A_269 : i1 to i32
          %sign3A_271 = arith.subi %sign3A_267, %sign3A_270 : i32
          %sign3A_272 = arith.constant 0 : i32
          %sign3A_273 = arith.cmpi sgt, %jit3A_263, %sign3A_272 : i32
          %sign3A_274 = arith.extui %sign3A_273 : i1 to i32
          %sign3A_275 = arith.constant 0 : i32
          %sign3A_276 = arith.cmpi slt, %jit3A_263, %sign3A_275 : i32
          %sign3A_277 = arith.extui %sign3A_276 : i1 to i32
          %sign3A_278 = arith.subi %sign3A_274, %sign3A_277 : i32
          %ne3A_279 = arith.cmpi ne, %sign3A_271, %sign3A_278 : i32
          %rem3A_280 = arith.remsi %add3A_262, %jit3A_263 : i32
          %ne3A_281 = arith.constant 0 : i32
          %ne3A_282 = arith.cmpi ne, %rem3A_280, %ne3A_281 : i32
          %and3A_283 = arith.andi %ne3A_279, %ne3A_282 : i1
          %sub3A_284 = arith.constant 1 : i32
          %sub3A_285 = arith.subi %div3A_264, %sub3A_284 : i32
          %select_n3A_286 = arith.select %and3A_283, %sub3A_285, %div3A_264 : i32
          %jit3A_287 = arith.constant 4 : i32
          %eq3A_288 = arith.constant 0 : i32
          %eq3A_289 = arith.cmpi eq, %jit3A_287, %eq3A_288 : i32
          %jit3A_290 = arith.constant 1 : i32
          %select_n3A_291 = arith.select %eq3A_289, %jit3A_290, %jit3A_287 : i32
          %rem3A_292 = arith.remsi %add3A_262, %select_n3A_291 : i32
          %ne3A_293 = arith.constant 0 : i32
          %ne3A_294 = arith.cmpi ne, %rem3A_292, %ne3A_293 : i32
          %lt3A_295 = arith.constant 0 : i32
          %lt3A_296 = arith.cmpi slt, %rem3A_292, %lt3A_295 : i32
          %lt3A_297 = arith.constant 0 : i32
          %lt3A_298 = arith.cmpi slt, %select_n3A_291, %lt3A_297 : i32
          %ne3A_299 = arith.xori %lt3A_296, %lt3A_298 : i1
          %and3A_300 = arith.andi %ne3A_299, %ne3A_294 : i1
          %add3A_301 = arith.addi %rem3A_292, %select_n3A_291 : i32
          %select_n3A_302 = arith.select %and3A_300, %add3A_301, %rem3A_292 : i32
          %mul3A_303 = arith.constant 4096 : i32
          %mul3A_304 = arith.muli %select_n3A_302, %mul3A_303 : i32
          %dma_start3A_305 = arith.constant 0 : i32
          %dma_start3A_306 = arith.constant 0 : i32
          %dma_start3A_307 = tpu.memref_slice %arg6[%dma_start3A_305, %dma_start3A_306] : memref<2x4096xi32, #tpu.memory_space<vmem>> -> memref<1x4096xi32, #tpu.memory_space<vmem>>
          %dma_start3A_308 = tpu.memref_squeeze %dma_start3A_307 : memref<1x4096xi32, #tpu.memory_space<vmem>> -> memref<4096xi32, #tpu.memory_space<vmem>>
          %dma_start3A_309 = tpu.memref_slice %arg3[%select_n3A_286, %mul3A_304] : memref<26x16384xi32, #tpu.memory_space<hbm>> -> memref<1x4096xi32, #tpu.memory_space<hbm>>
          %dma_start3A_310 = tpu.memref_squeeze %dma_start3A_309 : memref<1x4096xi32, #tpu.memory_space<hbm>> -> memref<4096xi32, #tpu.memory_space<hbm>>
          %dma_start3A_311 = arith.constant 0 : i32
          %dma_start3A_312 = tpu.memref_slice %arg6[%dma_start3A_305, %dma_start3A_311] : memref<2x4096xi32, #tpu.memory_space<vmem>> -> memref<1x4096xi32, #tpu.memory_space<vmem>>
          %dma_start3A_313 = tpu.memref_squeeze %dma_start3A_312 : memref<1x4096xi32, #tpu.memory_space<vmem>> -> memref<4096xi32, #tpu.memory_space<vmem>>
          %dma_start3A_314 = tpu.memref_slice %arg3[%select_n3A_286, %mul3A_304] : memref<26x16384xi32, #tpu.memory_space<hbm>> -> memref<1x4096xi32, #tpu.memory_space<hbm>>
          %dma_start3A_315 = tpu.memref_squeeze %dma_start3A_314 : memref<1x4096xi32, #tpu.memory_space<hbm>> -> memref<4096xi32, #tpu.memory_space<hbm>>
          tpu.enqueue_dma source(%dma_start3A_315 : memref<4096xi32, #tpu.memory_space<hbm>>) target(%dma_start3A_313 : memref<4096xi32, #tpu.memory_space<vmem>>) target_semaphore(%arg9 : memref<!tpu.dma_semaphore, #tpu.memory_space<semaphore_mem>>)
        } else {
        }
        %ge3A = arith.constant 2 : i32
        %ge3A_192 = arith.cmpi sge, %scan3A_54, %ge3A : i32
        %convert_element_type3A_193 = arith.extui %ge3A_192 : i1 to i32
        %cond3A_194 = arith.constant 0 : i32
        %cond3A_195 = arith.cmpi ne, %convert_element_type3A_193, %cond3A_194 : i32
        scf.if %cond3A_195 {
          %sub3A_261 = arith.constant 2 : i32
          %sub3A_262 = arith.subi %scan3A_54, %sub3A_261 : i32
          %jit3A_263 = arith.constant 4 : i32
          %div3A_264 = arith.divsi %sub3A_262, %jit3A_263 : i32
          %sign3A_265 = arith.constant 0 : i32
          %sign3A_266 = arith.cmpi sgt, %sub3A_262, %sign3A_265 : i32
          %sign3A_267 = arith.extui %sign3A_266 : i1 to i32
          %sign3A_268 = arith.constant 0 : i32
          %sign3A_269 = arith.cmpi slt, %sub3A_262, %sign3A_268 : i32
          %sign3A_270 = arith.extui %sign3A_269 : i1 to i32
          %sign3A_271 = arith.subi %sign3A_267, %sign3A_270 : i32
          %sign3A_272 = arith.constant 0 : i32
          %sign3A_273 = arith.cmpi sgt, %jit3A_263, %sign3A_272 : i32
          %sign3A_274 = arith.extui %sign3A_273 : i1 to i32
          %sign3A_275 = arith.constant 0 : i32
          %sign3A_276 = arith.cmpi slt, %jit3A_263, %sign3A_275 : i32
          %sign3A_277 = arith.extui %sign3A_276 : i1 to i32
          %sign3A_278 = arith.subi %sign3A_274, %sign3A_277 : i32
          %ne3A_279 = arith.cmpi ne, %sign3A_271, %sign3A_278 : i32
          %rem3A_280 = arith.remsi %sub3A_262, %jit3A_263 : i32
          %ne3A_281 = arith.constant 0 : i32
          %ne3A_282 = arith.cmpi ne, %rem3A_280, %ne3A_281 : i32
          %and3A_283 = arith.andi %ne3A_279, %ne3A_282 : i1
          %sub3A_284 = arith.constant 1 : i32
          %sub3A_285 = arith.subi %div3A_264, %sub3A_284 : i32
          %select_n3A_286 = arith.select %and3A_283, %sub3A_285, %div3A_264 : i32
          %jit3A_287 = arith.constant 4 : i32
          %eq3A_288 = arith.constant 0 : i32
          %eq3A_289 = arith.cmpi eq, %jit3A_287, %eq3A_288 : i32
          %jit3A_290 = arith.constant 1 : i32
          %select_n3A_291 = arith.select %eq3A_289, %jit3A_290, %jit3A_287 : i32
          %rem3A_292 = arith.remsi %sub3A_262, %select_n3A_291 : i32
          %ne3A_293 = arith.constant 0 : i32
          %ne3A_294 = arith.cmpi ne, %rem3A_292, %ne3A_293 : i32
          %lt3A_295 = arith.constant 0 : i32
          %lt3A_296 = arith.cmpi slt, %rem3A_292, %lt3A_295 : i32
          %lt3A_297 = arith.constant 0 : i32
          %lt3A_298 = arith.cmpi slt, %select_n3A_291, %lt3A_297 : i32
          %ne3A_299 = arith.xori %lt3A_296, %lt3A_298 : i1
          %and3A_300 = arith.andi %ne3A_299, %ne3A_294 : i1
          %add3A_301 = arith.addi %rem3A_292, %select_n3A_291 : i32
          %select_n3A_302 = arith.select %and3A_300, %add3A_301, %rem3A_292 : i32
          %mul3A_303 = arith.constant 4096 : i32
          %mul3A_304 = arith.muli %select_n3A_302, %mul3A_303 : i32
          %dma_wait3A_305 = arith.constant 1 : i32
          %dma_wait3A_306 = arith.constant 0 : i32
          %dma_wait3A_307 = tpu.memref_slice %arg7[%dma_wait3A_305, %dma_wait3A_306] : memref<2x4096xf32, #tpu.memory_space<vmem>> -> memref<1x4096xf32, #tpu.memory_space<vmem>>
          %dma_wait3A_308 = tpu.memref_squeeze %dma_wait3A_307 : memref<1x4096xf32, #tpu.memory_space<vmem>> -> memref<4096xf32, #tpu.memory_space<vmem>>
          %dma_wait3A_309 = tpu.memref_slice %arg4[%select_n3A_286, %add3A, %mul3A_304] : memref<26x32x16384xf32, #tpu.memory_space<hbm>> -> memref<1x1x4096xf32, #tpu.memory_space<hbm>>
          %dma_wait3A_310 = tpu.memref_squeeze %dma_wait3A_309 : memref<1x1x4096xf32, #tpu.memory_space<hbm>> -> memref<4096xf32, #tpu.memory_space<hbm>>
          %dma_wait3A_311 = tpu.memref_slice %arg4[%select_n3A_286, %add3A, %mul3A_304] : memref<26x32x16384xf32, #tpu.memory_space<hbm>> -> memref<1x1x4096xf32, #tpu.memory_space<hbm>>
          %dma_wait3A_312 = tpu.memref_squeeze %dma_wait3A_311 : memref<1x1x4096xf32, #tpu.memory_space<hbm>> -> memref<4096xf32, #tpu.memory_space<hbm>>
          %dma_wait3A_313 = arith.constant 0 : i32
          %dma_wait3A_314 = tpu.memref_slice %arg7[%dma_wait3A_305, %dma_wait3A_313] : memref<2x4096xf32, #tpu.memory_space<vmem>> -> memref<1x4096xf32, #tpu.memory_space<vmem>>
          %dma_wait3A_315 = tpu.memref_squeeze %dma_wait3A_314 : memref<1x4096xf32, #tpu.memory_space<vmem>> -> memref<4096xf32, #tpu.memory_space<vmem>>
          tpu.wait_dma2 semaphore(%arg12 : memref<!tpu.dma_semaphore, #tpu.memory_space<semaphore_mem>>) src(%dma_wait3A_315 : memref<4096xf32, #tpu.memory_space<vmem>>) dst(%dma_wait3A_312 : memref<4096xf32, #tpu.memory_space<hbm>>)
        } else {
        }
        %parallel_loop3A = arith.constant 0 : i32
        %parallel_loop3A_196 = arith.constant 4096 : i32
        %parallel_loop3A_197 = arith.constant 16 : i32
        scf.for %parallel_loop3A_261 = %parallel_loop3A to %parallel_loop3A_196 step %parallel_loop3A_197  : i32 {
          %parallel_loop3A_262 = arith.constant 1 : i32
          %parallel_loop3A_263 = arith.index_cast %parallel_loop3A_262 : i32 to index
          %parallel_loop3A_264 = arith.index_cast %parallel_loop3A_261 : i32 to index
          %parallel_loop3A_265 = tpu.vector_load %arg6[%parallel_loop3A_263, %parallel_loop3A_264] {strides = array<i32>} : memref<2x4096xi32, #tpu.memory_space<vmem>>, vector<16xi32>,
          %parallel_loop3A_266 = tpu.vector_load_idx %arg5[%parallel_loop3A_265] : memref<100001xf32, #tpu.memory_space<vmem>>[vector<16xi32>], vector<16xf32>,
          %parallel_loop3A_267 = arith.constant 1 : i32
          %parallel_loop3A_268 = arith.index_cast %parallel_loop3A_267 : i32 to index
          %parallel_loop3A_269 = arith.index_cast %parallel_loop3A_261 : i32 to index
          %parallel_loop3A_270 = tpu.vector_load %arg7[%parallel_loop3A_268, %parallel_loop3A_269] {strides = array<i32>} : memref<2x4096xf32, #tpu.memory_space<vmem>>, vector<16xf32>,
          tpu.vector_store %arg7[%parallel_loop3A_268, %parallel_loop3A_269], %parallel_loop3A_266 {strides = array<i32>} : memref<2x4096xf32, #tpu.memory_space<vmem>>, vector<16xf32>,
        } {sc.loop_unroll_factor = 16 : i64, sc.parallel_access}
        %eq3A_198 = arith.constant 3 : i32
        %eq3A_199 = arith.cmpi eq, %select_n3A_85, %eq3A_198 : i32
        %add3A_200 = arith.constant 1 : i32
        %add3A_201 = arith.addi %select_n3A, %add3A_200 : i32
        %lt3A_202 = arith.constant 26 : i32
        %lt3A_203 = arith.cmpi slt, %add3A_201, %lt3A_202 : i32
        %and3A_204 = arith.andi %eq3A_199, %lt3A_203 : i1
        %convert_element_type3A_205 = arith.extui %and3A_204 : i1 to i32
        %cond3A_206 = arith.constant 0 : i32
        %cond3A_207 = arith.cmpi ne, %convert_element_type3A_205, %cond3A_206 : i32
        scf.if %cond3A_207 {
          %add3A_261 = arith.constant 1 : i32
          %add3A_262 = arith.addi %select_n3A, %add3A_261 : i32
          %dma_start3A_263 = arith.constant 0 : i32
          %dma_start3A_264 = tpu.memref_slice %arg2[%add3A_262, %add3A, %dma_start3A_263] : memref<26x32x100001xf32, #tpu.memory_space<hbm>> -> memref<1x1x100001xf32, #tpu.memory_space<hbm>>
          %dma_start3A_265 = tpu.memref_squeeze %dma_start3A_264 : memref<1x1x100001xf32, #tpu.memory_space<hbm>> -> memref<100001xf32, #tpu.memory_space<hbm>>
          %dma_start3A_266 = arith.constant 0 : i32
          %dma_start3A_267 = tpu.memref_slice %arg2[%add3A_262, %add3A, %dma_start3A_266] : memref<26x32x100001xf32, #tpu.memory_space<hbm>> -> memref<1x1x100001xf32, #tpu.memory_space<hbm>>
          %dma_start3A_268 = tpu.memref_squeeze %dma_start3A_267 : memref<1x1x100001xf32, #tpu.memory_space<hbm>> -> memref<100001xf32, #tpu.memory_space<hbm>>
          tpu.enqueue_dma source(%dma_start3A_268 : memref<100001xf32, #tpu.memory_space<hbm>>) target(%arg5 : memref<100001xf32, #tpu.memory_space<vmem>>) target_semaphore(%arg8 : memref<!tpu.dma_semaphore, #tpu.memory_space<semaphore_mem>>)
        } else {
        }
        %jit3A_208 = arith.constant 4 : i32
        %div3A_209 = arith.divsi %scan3A_54, %jit3A_208 : i32
        %sign3A_210 = arith.constant 0 : i32
        %sign3A_211 = arith.cmpi sgt, %scan3A_54, %sign3A_210 : i32
        %sign3A_212 = arith.extui %sign3A_211 : i1 to i32
        %sign3A_213 = arith.constant 0 : i32
        %sign3A_214 = arith.cmpi slt, %scan3A_54, %sign3A_213 : i32
        %sign3A_215 = arith.extui %sign3A_214 : i1 to i32
        %sign3A_216 = arith.subi %sign3A_212, %sign3A_215 : i32
        %sign3A_217 = arith.constant 0 : i32
        %sign3A_218 = arith.cmpi sgt, %jit3A_208, %sign3A_217 : i32
        %sign3A_219 = arith.extui %sign3A_218 : i1 to i32
        %sign3A_220 = arith.constant 0 : i32
        %sign3A_221 = arith.cmpi slt, %jit3A_208, %sign3A_220 : i32
        %sign3A_222 = arith.extui %sign3A_221 : i1 to i32
        %sign3A_223 = arith.subi %sign3A_219, %sign3A_222 : i32
        %ne3A_224 = arith.cmpi ne, %sign3A_216, %sign3A_223 : i32
        %rem3A_225 = arith.remsi %scan3A_54, %jit3A_208 : i32
        %ne3A_226 = arith.constant 0 : i32
        %ne3A_227 = arith.cmpi ne, %rem3A_225, %ne3A_226 : i32
        %and3A_228 = arith.andi %ne3A_224, %ne3A_227 : i1
        %sub3A_229 = arith.constant 1 : i32
        %sub3A_230 = arith.subi %div3A_209, %sub3A_229 : i32
        %select_n3A_231 = arith.select %and3A_228, %sub3A_230, %div3A_209 : i32
        %jit3A_232 = arith.constant 4 : i32
        %eq3A_233 = arith.constant 0 : i32
        %eq3A_234 = arith.cmpi eq, %jit3A_232, %eq3A_233 : i32
        %jit3A_235 = arith.constant 1 : i32
        %select_n3A_236 = arith.select %eq3A_234, %jit3A_235, %jit3A_232 : i32
        %rem3A_237 = arith.remsi %scan3A_54, %select_n3A_236 : i32
        %ne3A_238 = arith.constant 0 : i32
        %ne3A_239 = arith.cmpi ne, %rem3A_237, %ne3A_238 : i32
        %lt3A_240 = arith.constant 0 : i32
        %lt3A_241 = arith.cmpi slt, %rem3A_237, %lt3A_240 : i32
        %lt3A_242 = arith.constant 0 : i32
        %lt3A_243 = arith.cmpi slt, %select_n3A_236, %lt3A_242 : i32
        %ne3A_244 = arith.xori %lt3A_241, %lt3A_243 : i1
        %and3A_245 = arith.andi %ne3A_244, %ne3A_239 : i1
        %add3A_246 = arith.addi %rem3A_237, %select_n3A_236 : i32
        %select_n3A_247 = arith.select %and3A_245, %add3A_246, %rem3A_237 : i32
        %mul3A_248 = arith.constant 4096 : i32
        %mul3A_249 = arith.muli %select_n3A_247, %mul3A_248 : i32
        %dma_start3A_250 = arith.constant 1 : i32
        %dma_start3A_251 = arith.constant 0 : i32
        %dma_start3A_252 = tpu.memref_slice %arg7[%dma_start3A_250, %dma_start3A_251] : memref<2x4096xf32, #tpu.memory_space<vmem>> -> memref<1x4096xf32, #tpu.memory_space<vmem>>
        %dma_start3A_253 = tpu.memref_squeeze %dma_start3A_252 : memref<1x4096xf32, #tpu.memory_space<vmem>> -> memref<4096xf32, #tpu.memory_space<vmem>>
        %dma_start3A_254 = tpu.memref_slice %arg4[%select_n3A_231, %add3A, %mul3A_249] : memref<26x32x16384xf32, #tpu.memory_space<hbm>> -> memref<1x1x4096xf32, #tpu.memory_space<hbm>>
        %dma_start3A_255 = tpu.memref_squeeze %dma_start3A_254 : memref<1x1x4096xf32, #tpu.memory_space<hbm>> -> memref<4096xf32, #tpu.memory_space<hbm>>
        %dma_start3A_256 = tpu.memref_slice %arg4[%select_n3A_231, %add3A, %mul3A_249] : memref<26x32x16384xf32, #tpu.memory_space<hbm>> -> memref<1x1x4096xf32, #tpu.memory_space<hbm>>
        %dma_start3A_257 = tpu.memref_squeeze %dma_start3A_256 : memref<1x1x4096xf32, #tpu.memory_space<hbm>> -> memref<4096xf32, #tpu.memory_space<hbm>>
        %dma_start3A_258 = arith.constant 0 : i32
        %dma_start3A_259 = tpu.memref_slice %arg7[%dma_start3A_250, %dma_start3A_258] : memref<2x4096xf32, #tpu.memory_space<vmem>> -> memref<1x4096xf32, #tpu.memory_space<vmem>>
        %dma_start3A_260 = tpu.memref_squeeze %dma_start3A_259 : memref<1x4096xf32, #tpu.memory_space<vmem>> -> memref<4096xf32, #tpu.memory_space<vmem>>
        tpu.enqueue_dma source(%dma_start3A_260 : memref<4096xf32, #tpu.memory_space<vmem>>) target(%dma_start3A_257 : memref<4096xf32, #tpu.memory_space<hbm>>) target_semaphore(%arg12 : memref<!tpu.dma_semaphore, #tpu.memory_space<semaphore_mem>>)
      } else {
      }
      %scan3A_126 = arith.constant 0 : i32
      scf.yield %scan3A_126 : i32
    }
    %scan3A_26 = arith.constant 104 : i32
    %dma_wait3A = arith.constant 0 : i32
    %dma_wait3A_27 = arith.constant 25 : i32
    %dma_wait3A_28 = arith.constant 0 : i32
    %dma_wait3A_29 = tpu.memref_slice %arg7[%dma_wait3A, %dma_wait3A_28] : memref<2x4096xf32, #tpu.memory_space<vmem>> -> memref<1x4096xf32, #tpu.memory_space<vmem>>
    %dma_wait3A_30 = tpu.memref_squeeze %dma_wait3A_29 : memref<1x4096xf32, #tpu.memory_space<vmem>> -> memref<4096xf32, #tpu.memory_space<vmem>>
    %dma_wait3A_31 = arith.constant 8192 : i32
    %dma_wait3A_32 = tpu.memref_slice %arg4[%dma_wait3A_27, %add3A, %dma_wait3A_31] : memref<26x32x16384xf32, #tpu.memory_space<hbm>> -> memref<1x1x4096xf32, #tpu.memory_space<hbm>>
    %dma_wait3A_33 = tpu.memref_squeeze %dma_wait3A_32 : memref<1x1x4096xf32, #tpu.memory_space<hbm>> -> memref<4096xf32, #tpu.memory_space<hbm>>
    %dma_wait3A_34 = arith.constant 8192 : i32
    %dma_wait3A_35 = tpu.memref_slice %arg4[%dma_wait3A_27, %add3A, %dma_wait3A_34] : memref<26x32x16384xf32, #tpu.memory_space<hbm>> -> memref<1x1x4096xf32, #tpu.memory_space<hbm>>
    %dma_wait3A_36 = tpu.memref_squeeze %dma_wait3A_35 : memref<1x1x4096xf32, #tpu.memory_space<hbm>> -> memref<4096xf32, #tpu.memory_space<hbm>>
    %dma_wait3A_37 = arith.constant 0 : i32
    %dma_wait3A_38 = tpu.memref_slice %arg7[%dma_wait3A, %dma_wait3A_37] : memref<2x4096xf32, #tpu.memory_space<vmem>> -> memref<1x4096xf32, #tpu.memory_space<vmem>>
    %dma_wait3A_39 = tpu.memref_squeeze %dma_wait3A_38 : memref<1x4096xf32, #tpu.memory_space<vmem>> -> memref<4096xf32, #tpu.memory_space<vmem>>
    tpu.wait_dma2 semaphore(%arg11 : memref<!tpu.dma_semaphore, #tpu.memory_space<semaphore_mem>>) src(%dma_wait3A_39 : memref<4096xf32, #tpu.memory_space<vmem>>) dst(%dma_wait3A_36 : memref<4096xf32, #tpu.memory_space<hbm>>)
    %dma_wait3A_40 = arith.constant 1 : i32
    %dma_wait3A_41 = arith.constant 25 : i32
    %dma_wait3A_42 = arith.constant 0 : i32
    %dma_wait3A_43 = tpu.memref_slice %arg7[%dma_wait3A_40, %dma_wait3A_42] : memref<2x4096xf32, #tpu.memory_space<vmem>> -> memref<1x4096xf32, #tpu.memory_space<vmem>>
    %dma_wait3A_44 = tpu.memref_squeeze %dma_wait3A_43 : memref<1x4096xf32, #tpu.memory_space<vmem>> -> memref<4096xf32, #tpu.memory_space<vmem>>
    %dma_wait3A_45 = arith.constant 12288 : i32
    %dma_wait3A_46 = tpu.memref_slice %arg4[%dma_wait3A_41, %add3A, %dma_wait3A_45] : memref<26x32x16384xf32, #tpu.memory_space<hbm>> -> memref<1x1x4096xf32, #tpu.memory_space<hbm>>
    %dma_wait3A_47 = tpu.memref_squeeze %dma_wait3A_46 : memref<1x1x4096xf32, #tpu.memory_space<hbm>> -> memref<4096xf32, #tpu.memory_space<hbm>>
    %dma_wait3A_48 = arith.constant 12288 : i32
    %dma_wait3A_49 = tpu.memref_slice %arg4[%dma_wait3A_41, %add3A, %dma_wait3A_48] : memref<26x32x16384xf32, #tpu.memory_space<hbm>> -> memref<1x1x4096xf32, #tpu.memory_space<hbm>>
    %dma_wait3A_50 = tpu.memref_squeeze %dma_wait3A_49 : memref<1x1x4096xf32, #tpu.memory_space<hbm>> -> memref<4096xf32, #tpu.memory_space<hbm>>
    %dma_wait3A_51 = arith.constant 0 : i32
    %dma_wait3A_52 = tpu.memref_slice %arg7[%dma_wait3A_40, %dma_wait3A_51] : memref<2x4096xf32, #tpu.memory_space<vmem>> -> memref<1x4096xf32, #tpu.memory_space<vmem>>
    %dma_wait3A_53 = tpu.memref_squeeze %dma_wait3A_52 : memref<1x4096xf32, #tpu.memory_space<vmem>> -> memref<4096xf32, #tpu.memory_space<vmem>>
    tpu.wait_dma2 semaphore(%arg12 : memref<!tpu.dma_semaphore, #tpu.memory_space<semaphore_mem>>) src(%dma_wait3A_53 : memref<4096xf32, #tpu.memory_space<vmem>>) dst(%dma_wait3A_50 : memref<4096xf32, #tpu.memory_space<hbm>>)
    return
  }
}

</mosaic_0001>

<sc_bundles>
// kernel: kernel.3.cloned.1.call-start
scs
__scs_entry_jumppad:
0x0: {  	(pc) =	sbr.rel $0x88, $3  }
0x1: {  	(tag) =	ssettag $0x0;
	lr =	simm.s32 $0x1  }
0x2: {  	[smem:$0x3F9F] =	sst lr;
	_ =	strace $0xD0000000  }
0x3: {  	_ = 	snop  }
0x4: {  	_ = 	snop  }
0x5: {  	_ = 	snop  }
0x6: {  	_ = 	snop  }
0x7: {  	_ = 	snop  }
__scs_overlays_trampoline_lowered:
0x8: {  	[smem:$0x3FAE] =	sst s0  }
0x9: {  	[smem:$0x3FAF] =	sst s1  }
0xa: {  	[smem:$0x3FB0] =	sst s2  }
0xb: {  	[smem:$0x3FB1] =	sst s3  }
0xc: {  	[smem:$0x3FB2] =	sst s4  }
0xd: {  	[smem:$0x3FB3] =	sst s5  }
0xe: {  	[smem:$0x3FB4] =	sst s6  }
0xf: {  	[smem:$0x3FB5] =	sst s7  }
0x10: {  	[smem:$0x3FB6] =	sst s8  }
0x11: {  	[smem:$0x3FB7] =	sst s9;
	s0 =	simm.s32 @!p0 $0x0  }
0x12: {  	s1 =	sld [smem:$0x3F9D];
	s0 =	simm.s32 @p0 $0x1  }
0x13: {  	[smem:$0x3FB8] =	sst s0;
	s0 =	simm.s32 @!p1 $0x0  }
0x14: {  	s2 =	sld [smem:$0x3F9C];
	s0 =	simm.s32 @p1 $0x1  }
0x15: {  	[smem:$0x3FB9] =	sst s0;
	s0 =	simm.s32 @!p2 $0x0  }
0x16: {  	s3 =	sld [smem:$0x3FDB];
	s0 =	simm.s32 @p2 $0x1  }
0x17: {  	s4 =	simm.s32 $0x1BF5;
	[smem:$0x3FBB] =	sst s0  }
0x18: {  	s0 =	sld [smem:$0x3F9E];
	_ =	swait.ge [sflag:s4], $0x0  }
0x19: {  	s7 =	sld [smem:$0x3F9F]  }
0x1a: {  	s8 =	sadd.s32 $0xFFFFE003, lr  }
0x1b: {  	s9 =	sadd.s32 $0xFFFFFEF7, lr;
	s5 =	simm.s32 $0xFFFFFFFF;
	p2 =	slt.u32 s8, $0xFFFFF086  }
0x1c: {  	p1 =	slt.u32 s9, $0xF7A;
	s5 =	simm.s32 @!p2 $0x0  }
0x1d: {  	s5 =	simm.s32 @p1 $0x1;
	p0 =	seq.s32 s7, s2  }
0x1e: {  	s7 =	smul.u32 @!p0 $0xF7A, s2;
	p2 =	seq.s32 @!p0 s5, $0x0  }
0x1f: {  	s9 =	smul.u32 $0xF7A, s1;
	s8 =	simm.s32 @!p0 $0x1BF5;
	p2 =	por !p2, p0  }
0x20: {  	[sflag:s8] =	ssyncset.s32 @!p0 $0xFFFFF086;
	s6 =	sadd.s32 @!p0 s3, s7;
	s7 =	simm.s32 @!p0 $0x108  }
0x21: {  	s3 =	sadd.s32 s3, s9;
	s6 =	sadd.s32 @!p0 $0x88, s6;
	s7 =	simm.s32 @p2 $0x1082  }
0x22: {  	[simem:s7], [sflag:s8] =	dma.local @!p0 [hbm:s6], $0xF7A  }
0x23: {  	s9 =	sor.u32 $0xD0000000, s2;
	s6 =	simm.s32 $0x108;
	_ =	swait.ge @!p0 [sflag:s8], $0x0  }
0x24: {  	s3 =	sadd.s32 $0x88, s3;
	s6 =	simm.s32 @!p1 $0x1082;
	[sflag:s4] =	ssyncset.s32 $0xFFFFF086  }
0x25: {  	[simem:s6], [sflag:s4] =	dma.local [hbm:s3], $0xF7A  }
0x26: {  	[smem:$0x3F9F] =	sst s1;
	(tag) =	ssettag s2;
	_ =	strace s9  }
0x27: {  	s1 =	sld [smem:$0x3FAF]  }
0x28: {  	s2 =	sld [smem:$0x3FB0]  }
0x29: {  	s4 =	sld [smem:$0x3FB2]  }
0x2a: {  	p0 =	seq.s32 s5, $0x0;
	s5 =	sld [smem:$0x3FB3]  }
0x2b: {  	s6 =	sld [smem:$0x3FB4]  }
0x2c: {  	s7 =	sld [smem:$0x3FB5]  }
0x2d: {  	s3 =	simm.s32 $0x108;
	s8 =	sld [smem:$0x3FB6]  }
0x2e: {  	s3 =	simm.s32 @!p0 $0x1082;
	s9 =	sld [smem:$0x3FB7]  }
0x2f: {  	lr =	sadd.s32 s0, s3;
	s0 =	sld [smem:$0x3FAE]  }
0x30: {  	s3 =	sld [smem:$0x3FB1]  }
0x31: {  	[smem:$0x3FBA] =	sst s10  }
0x32: {  	s10 =	sld [smem:$0x3FB8];
	_ =	sdelay $0x3  }
0x33: {  	p0 =	seq.s32 s10, $0x1;
	s10 =	sld [smem:$0x3FBA];
	_ =	sdelay $0x3  }
0x34: {  	[smem:$0x3FBA] =	sst s10  }
0x35: {  	s10 =	sld [smem:$0x3FB9];
	_ =	sdelay $0x3  }
0x36: {  	p1 =	seq.s32 s10, $0x1;
	s10 =	sld [smem:$0x3FBA];
	_ =	sdelay $0x3  }
0x37: {  	[smem:$0x3FBA] =	sst s10  }
0x38: {  	s10 =	sld [smem:$0x3FBB]  }
0x39: {  	_ = 	snop;
	(pc) =	sbr.ind lr, $3  }
0x3a: {  	_ = 	snop  }
0x3b: {  	_ = 	snop  }
0x3c: {  	p2 =	seq.s32 s10, $0x1;
	s10 =	sld [smem:$0x3FBA]  }
0x3d: {  	_ =	shalt  }
0x3e: {  	_ =	shalt  }
0x3f: {  	_ =	shalt  }
0x40: {  	_ =	shalt  }
0x41: {  	_ =	shalt  }
0x42: {  	_ =	shalt  }
0x43: {  	_ =	shalt  }
0x44: {  	_ =	shalt  }
0x45: {  	_ =	shalt  }
0x46: {  	_ =	shalt  }
0x47: {  	_ =	shalt  }
0x48: {  	_ =	shalt  }
0x49: {  	_ =	shalt  }
0x4a: {  	_ =	shalt  }
0x4b: {  	_ =	shalt  }
0x4c: {  	_ =	shalt  }
0x4d: {  	_ =	shalt  }
0x4e: {  	_ =	shalt  }
0x4f: {  	_ =	shalt  }
0x50: {  	_ =	shalt  }
0x51: {  	_ =	shalt  }
0x52: {  	_ =	shalt  }
0x53: {  	_ =	shalt  }
0x54: {  	_ =	shalt  }
0x55: {  	_ =	shalt  }
0x56: {  	_ =	shalt  }
0x57: {  	_ =	shalt  }
0x58: {  	_ =	shalt  }
0x59: {  	_ =	shalt  }
0x5a: {  	_ =	shalt  }
0x5b: {  	_ =	shalt  }
0x5c: {  	_ =	shalt  }
0x5d: {  	_ =	shalt  }
0x5e: {  	_ =	shalt  }
0x5f: {  	_ =	shalt  }
0x60: {  	_ =	shalt  }
0x61: {  	_ =	shalt  }
0x62: {  	_ =	shalt  }
0x63: {  	_ =	shalt  }
0x64: {  	_ =	shalt  }
0x65: {  	_ =	shalt  }
0x66: {  	_ =	shalt  }
0x67: {  	_ =	shalt  }
0x68: {  	_ =	shalt  }
0x69: {  	_ =	shalt  }
0x6a: {  	_ =	shalt  }
0x6b: {  	_ =	shalt  }
0x6c: {  	_ =	shalt  }
0x6d: {  	_ =	shalt  }
0x6e: {  	_ =	shalt  }
0x6f: {  	_ =	shalt  }
0x70: {  	_ =	shalt  }
0x71: {  	_ =	shalt  }
0x72: {  	_ =	shalt  }
0x73: {  	_ =	shalt  }
0x74: {  	_ =	shalt  }
0x75: {  	_ =	shalt  }
0x76: {  	_ =	shalt  }
0x77: {  	_ =	shalt  }
0x78: {  	_ =	shalt  }
0x79: {  	_ =	shalt  }
0x7a: {  	_ =	shalt  }
0x7b: {  	_ =	shalt  }
0x7c: {  	_ =	shalt  }
0x7d: {  	_ =	shalt  }
0x7e: {  	_ =	shalt  }
0x7f: {  	_ =	shalt  }
0x80: {  	_ =	shalt  }
0x81: {  	_ =	shalt  }
0x82: {  	_ =	shalt  }
0x83: {  	_ =	shalt  }
0x84: {  	_ =	shalt  }
0x85: {  	_ =	shalt  }
0x86: {  	_ =	shalt  }
0x87: {  	_ =	shalt  }
.Lfunc_end0:
.L_simem_size_0:
called_computation_lowered:
.L_overlay_start_0:
0x88: {  	s2 =	sld [smem:$0x3FD9]  }
0x89: {  	s3 =	sld [smem:$0x3FFE];
	_ =	sdelay $0x1  }
0x8a: {  	s1 =	srdreg.scid  }
0x8b: {  	s0 =	sand.u32 $0x1, s1  }
0x8c: {  	s18 =	sshll.u32 s0, $0xA;
	s2 =	sadd.s32 s3, s2  }
0x8d: {  	s2 =	sadd.s32 s2, s18  }
0x8e: {  	[smem:$0x3FC6] =	sst s2  }
0x8f: {  	_ = 	snop  }
0x90: {  	s2 =	sld [smem:$0x3FC9]  }
0x91: {  	s19 =	sld [smem:$0x3FC8]  }
0x92: {  	s4 =	sld [smem:$0x3FD0];
	(tm) =	ssettm $0x1  }
0x93: {  	s5 =	sld [smem:$0x3FFB];
	_ =	sdelay $0x3  }
0x94: {  	_ =	strace s5  }
0x95: {  	s5 =	sld [smem:$0x3FFC];
	_ =	sdelay $0x3  }
0x96: {  	_ =	strace s5  }
0x97: {  	s5 =	sld [smem:$0x3FFD];
	_ =	sdelay $0x3  }
0x98: {  	_ =	strace s5  }
0x99: {  	_ =	strace $0x8FFFFFFF  }
0x9a: {  	s20 =	sld [smem:$0x3FDB];
	_ =	sdelay $0x1  }
0x9b: {  	s6 =	simm.s32 $_scs_section_size  }
0x9c: {  	s7 =	simm.s32 $_size__tile_overlayer_lowered;
	s8 =	simm.s32 $_tile_overlayer_lowered  }
0x9d: {  	s23 =	simm.s32 $0x1BFF;
	s22 =	sshll.u32 s8, $0x1;
	s5 =	sadd.s32 s6, s20  }
0x9e: {  	s9 =	simm.s32 $0x0;
	s21 =	sshll.u32 s7, $0x1;
	s7 =	sadd.s32 s22, s5  }
0x9f: {  	[timem:s9], [sflag:s23] =	dma.local [hbm:s7], s21  }
0xa0: {  	_ =	swait.ge [sflag:s23], s21  }
0xa1: {  	s6 =	ssub.s32 $0x0, s21;
	[sflag:s23] =	ssyncset.done $0x0  }
0xa2: {  	[sflag:s23] =	ssyncadd.s32 s6;
	_ =	sdelay $0x1  }
0xa3: {  	s24 =	simm.s32 $0x1B8B  }
0xa4: {  	_ =	swait.ge [sflag:s24], $0x1  }
0xa5: {  	[sflag:s24] =	ssyncset.done $0x0  }
0xa6: {  	s25 =	simm.s32 $0x1B8E;
	[sflag:s24] =	ssyncadd.s32 $0xFFFFFFFF  }
0xa7: {  	s26 =	simm.s32 $execute0_lowered;
	[smem:$0x3FD2] =	sst s25  }
0xa8: {  	s6 =	sshll.u32 s26, $0x1;
	_ =	strace $0x80000046;
	[dreg:$0x1] =	wrdreg $0xFFFFFFFF  }
0xa9: {  	s28 =	simm.s32 $_size_execute0_lowered;
	s5 =	sadd.s32 s5, s6;
	[dreg:$0x0] =	wrdreg $0x0  }
0xaa: {  	s6 =	sshll.u32 s28, $0x1;
	[dreg:$0x2] =	wrdreg s5  }
0xab: {  	[dreg:$0x3] =	wrdreg s6  }
0xac: {  	[dreg:$0x4] =	wrdreg $0xC0  }
0xad: {  	_ =	task [dreg:s9], $0x5FFFF  }
0xae: {  	[dreg:$0x1] =	wrdreg $0xFFFFFFFF  }
0xaf: {  	[dreg:$0x0] =	wrdreg $0x60  }
0xb0: {  	[dreg:$0x2] =	wrdreg s19  }
0xb1: {  	[dreg:$0x3] =	wrdreg s2  }
0xb2: {  	[dreg:$0x4] =	wrdreg s4  }
0xb3: {  	[dreg:$0x5] =	wrdreg $0x9  }
0xb4: {  	_ =	task.clear_ibuf [dreg:s9], $0x6FFFF;
	_ =	strace $0x90000046  }
0xb5: {  	s29 =	simm.s32 $0x9;
	_ =	strace $0x80000048  }
0xb6: {  	_ =	swait.ge [sflag:s29], $0x1  }
0xb7: {  	[sflag:s29] =	ssyncadd.s32 $0xFFFFFFFF  }
0xb8: {  	_ =	strace $0x90000048  }
0xb9: {  	_ =	sfence  }
0xba: {  	s30 =	sld [smem:$0x0];
	_ =	sdelay $0x2  }
0xbb: {  	s31 =	sshll.u32 s1, $0xD;
	s1 =	sshrl.u32 s1, $0x2  }
0xbc: {  	s3 =	sand.u32 $0x4000, s31;
	s1 =	sadd.s32 s1, s30  }
0xbd: {  	s0 =	sor.u32 s3, s0;
	s1 =	sshll.u32 s1, $0x11  }
0xbe: {  	s0 =	sor.u32 s1, s0  }
0xbf: {  	s0 =	sadd.s32 $0x8F2B, s0  }
0xc0: {  	[sflag:s0] =	ssyncadd.remote.s32 $0x1  }
0xc1: {  	_ =	sfence.sel $0xFFFF  }
0xc2: {  	[dreg:$0x0] =	wrdreg $0xFFFFFFFF;
	(pc) =	sbr.abs _section_cstart, $3  }
0xc3: {  	[dreg:$0x1] =	wrdreg $0xFFFFFFFF  }
0xc4: {  	_ =	task.clear_ibuf [dreg:s9], $0x2FFFF;
	_ =	strace $0x9FFFFFFF  }
0xc5: {  	(tm) =	ssettm $0x7FFFFFFF  }
tec
execute0_lowered:
.L_overlay_start_1:
0x0: {  	(tag) =	ssettag $0x1  }
0x1: {  	s1 =	rddreg [dreg:$0x0]  }
0x2: {  	s3 =	rddreg [dreg:$0x1]  }
0x3: {  	s4 =	rddreg [dreg:$0x2]  }
0x4: {  	s0 =	rddreg [dreg:$0x3]  }
0x5: {  	s5 =	srdreg.scid;
	s2 =	stileid.u32;
	s12 =	simm.s32 $0x80  }
0x6: {  	s13 =	simm.s32 $0x400;
	s14 =	simm.s32 $0x3;
	s15 =	simm.s32 $0x5  }
0x7: {  	s16 =	simm.s32 $0x4;
	s17 =	simm.s32 $0x2;
	s18 =	simm.s32 $0x0  }
0x8: {  	s6 =	sand.u32 $0x1, s5;
	s9 =	sshrl.u32 s2, $0x2;
	s30 =	sshll.u32 s2, $0x8  }
0x9: {  	s5 =	simm.s32 $0x0;
	s7 =	smul.u32 $0xC3800, s9;
	s8 =	sshll.u32 s6, $0x7  }
.Ltmp0:
0xa: {  	s10 =	sand.u32 $0x300, s30;
	s11 =	ssub.s32 $0x2, s6;
	(pc) =	sbr.rel .LBB2_1-.Ltmp0, $4  }
0xb: {  	[smem:$0x7FF] =	sst s5;
	s9 =	sshll.u32 s9, $0x11;
	s6 =	sor.u32 s8, s10  }
0xc: {  	s31 =	sshrl.u32 s11, $0x1;
	_ =	strace $0x80000047;
	s10 =	sor.u32 s7, s6  }
0xd: {  	s8 =	sadd.s32 $0x1000, s3;
	s11 =	ssub.s32 s11, s31;
	s7 =	sshrl.u32 s10, $0x3  }
0xe: {  	s10 =	sadd.s32 $0x30E000, s10;
	s11 =	smax.u32 s11, $0x1;
	s7 =	sadd.s32 s1, s7  }
.LBB2_22:
0xf: {  	s18 =	sadd.s32 $0x1, s18  }
0x10: {  	_ =	swait.ge [sflag:s16], $0x1000;
	p0 =	sne.s32 s18, s11  }
.Ltmp1:
0x11: {  	[sflag:s16] =	ssyncset.done $0x0;
	(pc) =	sbr.rel @!p0 .LBB2_23-.Ltmp1, $4  }
0x12: {  	[sflag:s16] =	ssyncadd.s32 $0xFFFFF000  }
0x13: {  	_ =	swait.ge [sflag:s15], $0x1000  }
0x14: {  	[sflag:s15] =	ssyncset.done $0x0  }
0x15: {  	[sflag:s15] =	ssyncadd.s32 $0xFFFFF000  }
.LBB2_1:
0x16: {  	[tilespmem:s5], [sflag:$0x1] =	stream.strided.gather [hbm4b:s7+s12], $0x18700, s13, s12, $0x38;
	[tilespmem:$0x1C700] =	vst v63  }
0x17: {  	s20 =	simm.s32 $0x18700;
	s19 =	sadd.s32 $0x0, s3;
	s21 =	simm.s32 $0x80  }
0x18: {  	[tilespmem:s20], [sflag:$0x2] =	stream.linear.gather [hbm4b:s19+s5], $0x80, $0x38;
	[tilespmem:$0x1C700] =	vst v63  }
.LBB2_2:
0x19: {  	p0 =	sne.s32 s21, $0xF80  }
.Ltmp2:
0x1a: {  	_ = 	snop;
	(pc) =	sbr.rel @p0 .LBB2_2-.Ltmp2, $4  }
0x1b: {  	_ = 	snop  }
0x1c: {  	s22 =	sadd.s32 s21, s3;
	s20 =	sadd.s32 $0x100, s20  }
0x1d: {  	s19 =	simm.s32 $0x0;
	s21 =	sadd.s32 $0x80, s21  }
0x1e: {  	[tilespmem:s20], [sflag:$0x2] =	stream.linear.gather [hbm4b:s22+s19], $0x80, $0x38;
	[tilespmem:$0x1C700] =	vst v63  }
.Ltmp3:
0x1f: {  	_ = 	snop;
	(pc) =	sbr.rel .LBB2_3-.Ltmp3, $1  }
0x20: {  	_ =	sdelay $0x3  }
.LBB2_21:
0x21: {  	s19 =	sadd.s32 $0x1, s19  }
0x22: {  	p0 =	sne.s32 s19, $0x68  }
.Ltmp4:
0x23: {  	_ = 	snop;
	(pc) =	sbr.rel @!p0 .LBB2_22-.Ltmp4, $1  }
0x24: {  	_ =	sdelay $0x3  }
.LBB2_3:
0x25: {  	s23 =	sand.u32 $0x1, s19  }
0x26: {  	p0 =	seq.s32 s23, $0x1  }
.Ltmp5:
0x27: {  	_ = 	snop;
	(pc) =	sbr.rel @p0 .LBB2_11-.Ltmp5, $3  }
0x28: {  	_ =	sdelay $0x1  }
0x29: {  	s22 =	sand.u32 $0x3, s19  }
0x2a: {  	s21 =	sshrl.u32 s19, $0x2;
	s20 =	sshll.u32 s22, $0xF  }
0x2b: {  	_ =	swait.ge [sflag:s17], $0x1000;
	p0 =	sne.s32 s22, $0x0;
	s25 =	sshll.u32 s19, $0xC  }
0x2c: {  	s26 =	sshll.u32 s21, $0xB;
	s28 =	sshll.u32 s21, $0x4;
	[sflag:s17] =	ssyncset.done $0x0  }
0x2d: {  	s24 =	simm.s32 @!p0 $0x1;
	s25 =	sand.u32 $0x2000, s25;
	[sflag:s17] =	ssyncadd.s32 $0xFFFFF000  }
0x2e: {  	s26 =	sand.u32 $0xC000, s26;
	s25 =	sadd.s32 s25, s8;
	_ =	swait.ge @!p0 [sflag:s24], $0x18700  }
0x2f: {  	s28 =	sand.u32 $0x70, s28;
	s25 =	sadd.s32 s26, s25;
	[sflag:s24] =	ssyncset.done @!p0 $0x0  }
0x30: {  	s26 =	simm.s32 $0x80;
	[sflag:s24] =	ssyncadd.s32 @!p0 $0xFFFE7900;
	s24 =	sadd.s32 s28, s25  }
0x31: {  	s25 =	simm.s32 $0x18780;
	s28 =	simm.s32 $0x18880;
	s29 =	sadd.s32 $0x0, s24  }
.LBB2_5:
0x32: {  	[tilespmem:s25], [sflag:$0x3] =	stream.linear.gather [hbm4b:s29+s5], $0x80, $0x38;
	[tilespmem:$0x1C700] =	vst v63  }
0x33: {  	s29 =	smov.u32 s26;
	s25 =	smov.u32 s28;
	p0 =	sne.s32 s26, $0xF80  }
.Ltmp6:
0x34: {  	s26 =	sadd.s32 $0x80, s26;
	(pc) =	sbr.rel @p0 .LBB2_5-.Ltmp6, $2  }
0x35: {  	_ =	sdelay $0x2  }
0x36: {  	s28 =	sadd.s32 $0x100, s28;
	s29 =	sadd.s32 s29, s24  }
0x37: {  	[tilespmem:s25], [sflag:$0x3] =	stream.linear.gather [hbm4b:s29+s5], $0x80, $0x38;
	[tilespmem:$0x1C700] =	vst v63  }
0x38: {  	p0 =	slt.u32 s19, $0x2  }
0x39: {  	s24 =	simm.s32 @!p0 $0x4  }
0x3a: {  	_ =	swait.ge @!p0 [sflag:s24], $0x1000  }
0x3b: {  	[sflag:s24] =	ssyncset.done @!p0 $0x0  }
0x3c: {  	s31 =	simm.s32 $0x18800;
	[sflag:s24] =	ssyncadd.s32 @!p0 $0xFFFFF000  }
0x3d: {  	v0 =	vld [tilespmem:s31+$0x70]  }
0x3e: {  	v1 =	vld [tilespmem:s31+$0xFFFFFF10]  }
0x3f: {  	v2 =	vld [tilespmem:s31+$0xFFFFFF20]  }
0x40: {  	v3 =	vld [tilespmem:s31+$0xFFFFFF30]  }
0x41: {  	v4 =	vld [tilespmem:s31+$0xFFFFFF40]  }
0x42: {  	v5 =	vld [tilespmem:s31+$0xFFFFFF50]  }
0x43: {  	v6 =	vld [tilespmem:s31+$0xFFFFFF60]  }
0x44: {  	v7 =	vld [tilespmem:s31+$0xFFFFFF70]  }
0x45: {  	v8 =	vld [tilespmem:s31+$0x0]  }
0x46: {  	v9 =	vld [tilespmem:s31+$0x10]  }
0x47: {  	v10 =	vld [tilespmem:s31+$0x20]  }
0x48: {  	v11 =	vld [tilespmem:s31+$0x30]  }
0x49: {  	v12 =	vld [tilespmem:s31+$0x40]  }
0x4a: {  	v13 =	vld [tilespmem:s31+$0x50]  }
0x4b: {  	v14 =	vld [tilespmem:s31+$0x60]  }
0x4c: {  	v15 =	vld [tilespmem:s31+$0xFFFFFF00]  }
0x4d: {  	v0 =	vld.idx.msk [tilespmem:v0+s5+$0x0], $0xffff  }
0x4e: {  	v1 =	vld.idx.msk [tilespmem:v1+s5+$0x0], $0xffff  }
0x4f: {  	v2 =	vld.idx.msk [tilespmem:v2+s5+$0x0], $0xffff  }
0x50: {  	v3 =	vld.idx.msk [tilespmem:v3+s5+$0x0], $0xffff  }
0x51: {  	v4 =	vld.idx.msk [tilespmem:v4+s5+$0x0], $0xffff  }
0x52: {  	s24 =	simm.s32 $0x1A800;
	v16 =	vld.idx.msk [tilespmem:v5+s5+$0x0], $0xffff  }
0x53: {  	v6 =	vld.idx.msk [tilespmem:v6+s5+$0x0], $0xffff;
	[tilespmem:s24+$0x70] =	vst v0  }
0x54: {  	v7 =	vld.idx.msk [tilespmem:v7+s5+$0x0], $0xffff;
	[tilespmem:s24+$0xFFFFFF10] =	vst v1  }
0x55: {  	v15 =	vld.idx.msk [tilespmem:v15+s5+$0x0], $0xffff;
	[tilespmem:s24+$0xFFFFFF20] =	vst v2  }
0x56: {  	v8 =	vld.idx.msk [tilespmem:v8+s5+$0x0], $0xffff;
	[tilespmem:s24+$0xFFFFFF30] =	vst v3  }
0x57: {  	v5 =	vld.idx.msk [tilespmem:v9+s5+$0x0], $0xffff;
	[tilespmem:s24+$0xFFFFFF40] =	vst v4  }
0x58: {  	[tilespmem:s24+$0xFFFFFF50] =	vst v16;
	v0 =	vld.idx.msk [tilespmem:v10+s5+$0x0], $0xffff  }
0x59: {  	[tilespmem:s24+$0xFFFFFF60] =	vst v6;
	v1 =	vld.idx.msk [tilespmem:v11+s5+$0x0], $0xffff  }
0x5a: {  	[tilespmem:s24+$0xFFFFFF70] =	vst v7;
	v2 =	vld.idx.msk [tilespmem:v12+s5+$0x0], $0xffff  }
0x5b: {  	[tilespmem:s24+$0xFFFFFF00] =	vst v15;
	v3 =	vld.idx.msk [tilespmem:v13+s5+$0x0], $0xffff  }
0x5c: {  	s25 =	simm.s32 $0x0;
	s26 =	simm.s32 $0x18A00;
	[tilespmem:s24+$0x0] =	vst v8;
	v4 =	vld.idx.msk [tilespmem:v14+s5+$0x0], $0xffff  }
.LBB2_7:
0x5d: {  	v6 =	vld [tilespmem:s26+$0x70];
	s25 =	sadd.s32 $0x100, s25;
	[tilespmem:s24+$0x10] =	vst v5  }
0x5e: {  	v5 =	vld [tilespmem:s26+$0xFFFFFF10];
	p0 =	slt.u32 s25, $0xF00;
	[tilespmem:s24+$0x20] =	vst v0  }
0x5f: {  	v0 =	vld [tilespmem:s26+$0xFFFFFF20];
	[tilespmem:s24+$0x30] =	vst v1  }
0x60: {  	v1 =	vld [tilespmem:s26+$0xFFFFFF30];
	[tilespmem:s24+$0x40] =	vst v2  }
0x61: {  	v2 =	vld [tilespmem:s26+$0xFFFFFF40];
	[tilespmem:s24+$0x50] =	vst v3  }
0x62: {  	v3 =	vld [tilespmem:s26+$0xFFFFFF50];
	[tilespmem:s24+$0x60] =	vst v4  }
0x63: {  	v4 =	vld [tilespmem:s26+$0xFFFFFF60]  }
0x64: {  	v7 =	vld [tilespmem:s26+$0xFFFFFF70]  }
0x65: {  	v6 =	vld.idx.msk [tilespmem:v6+s5+$0x0], $0xffff  }
0x66: {  	v8 =	vld [tilespmem:s26+$0x0]  }
0x67: {  	v9 =	vld [tilespmem:s26+$0x10]  }
0x68: {  	v10 =	vld [tilespmem:s26+$0x20]  }
0x69: {  	v11 =	vld [tilespmem:s26+$0x30]  }
0x6a: {  	s24 =	sadd.s32 $0x200, s24;
	v12 =	vld [tilespmem:s26+$0x40]  }
0x6b: {  	v13 =	vld [tilespmem:s26+$0x50];
	[tilespmem:s24+$0x70] =	vst v6  }
0x6c: {  	v6 =	vld [tilespmem:s26+$0x60]  }
0x6d: {  	v14 =	vld [tilespmem:s26+$0xFFFFFF00]  }
0x6e: {  	v5 =	vld.idx.msk [tilespmem:v5+s5+$0x0], $0xffff  }
0x6f: {  	v0 =	vld.idx.msk [tilespmem:v0+s5+$0x0], $0xffff  }
0x70: {  	v1 =	vld.idx.msk [tilespmem:v1+s5+$0x0], $0xffff  }
0x71: {  	v2 =	vld.idx.msk [tilespmem:v2+s5+$0x0], $0xffff  }
0x72: {  	v3 =	vld.idx.msk [tilespmem:v3+s5+$0x0], $0xffff  }
0x73: {  	v4 =	vld.idx.msk [tilespmem:v4+s5+$0x0], $0xffff  }
0x74: {  	[tilespmem:s24+$0xFFFFFF10] =	vst v5;
	v7 =	vld.idx.msk [tilespmem:v7+s5+$0x0], $0xffff  }
0x75: {  	v14 =	vld.idx.msk [tilespmem:v14+s5+$0x0], $0xffff;
	[tilespmem:s24+$0xFFFFFF20] =	vst v0  }
0x76: {  	[tilespmem:s24+$0xFFFFFF30] =	vst v1;
	v8 =	vld.idx.msk [tilespmem:v8+s5+$0x0], $0xffff  }
0x77: {  	[tilespmem:s24+$0xFFFFFF40] =	vst v2;
	v5 =	vld.idx.msk [tilespmem:v9+s5+$0x0], $0xffff  }
.Ltmp7:
0x78: {  	[tilespmem:s24+$0xFFFFFF50] =	vst v3;
	v0 =	vld.idx.msk [tilespmem:v10+s5+$0x0], $0xffff;
	(pc) =	sbr.rel @p0 .LBB2_7-.Ltmp7, $4  }
0x79: {  	[tilespmem:s24+$0xFFFFFF60] =	vst v4;
	v1 =	vld.idx.msk [tilespmem:v11+s5+$0x0], $0xffff  }
0x7a: {  	[tilespmem:s24+$0xFFFFFF70] =	vst v7;
	v2 =	vld.idx.msk [tilespmem:v12+s5+$0x0], $0xffff  }
0x7b: {  	[tilespmem:s24+$0xFFFFFF00] =	vst v14;
	v3 =	vld.idx.msk [tilespmem:v13+s5+$0x0], $0xffff  }
0x7c: {  	s26 =	sadd.s32 $0x200, s26;
	[tilespmem:s24+$0x0] =	vst v8;
	v4 =	vld.idx.msk [tilespmem:v6+s5+$0x0], $0xffff  }
0x7d: {  	s25 =	sshll.u32 s21, $0x13  }
0x7e: {  	[tilespmem:s24+$0x10] =	vst v5;
	s25 =	sor.u32 s9, s25  }
0x7f: {  	[tilespmem:s24+$0x20] =	vst v0;
	s25 =	sor.u32 s20, s25  }
0x80: {  	[tilespmem:s24+$0x30] =	vst v1;
	s25 =	sor.u32 s6, s25  }
0x81: {  	[tilespmem:s24+$0x40] =	vst v2;
	s25 =	sshrl.u32 s25, $0x3  }
0x82: {  	s26 =	simm.s32 $0x1A700;
	[tilespmem:s24+$0x50] =	vst v3;
	s25 =	sadd.s32 s4, s25  }
0x83: {  	s28 =	simm.s32 $0x1A800;
	[tilespmem:s24+$0x60] =	vst v4;
	s24 =	simm.s32 $0x80;
	s29 =	sadd.s32 $0x0, s25  }
.LBB2_9:
0x84: {  	[hbm4b:s29+s5] =	stream.linear.scatter [tilespmem:s26], [sflag:$0x4], $0x80, $0x38;
	[tilespmem:$0x1C700] =	vst v63  }
0x85: {  	s29 =	smov.u32 s24;
	s26 =	smov.u32 s28;
	p0 =	sne.s32 s24, $0xF80  }
.Ltmp8:
0x86: {  	s24 =	sadd.s32 $0x80, s24;
	(pc) =	sbr.rel @p0 .LBB2_9-.Ltmp8, $2  }
0x87: {  	_ =	sdelay $0x2  }
0x88: {  	s28 =	sadd.s32 $0x100, s28;
	s29 =	sadd.s32 s29, s25  }
0x89: {  	p0 =	seq.s32 s23, $0x0  }
.Ltmp9:
0x8a: {  	_ = 	snop;
	(pc) =	sbr.rel @p0 .LBB2_21-.Ltmp9, $2  }
0x8b: {  	_ =	sdelay $0x2  }
0x8c: {  	[hbm4b:s29+s5] =	stream.linear.scatter [tilespmem:s26], [sflag:$0x4], $0x80, $0x38;
	[tilespmem:$0x1C700] =	vst v63  }
.LBB2_11:
0x8d: {  	_ =	swait.ge [sflag:s14], $0x1000;
	p1 =	seq.s32 s19, $0x67  }
.Ltmp10:
0x8e: {  	p0 =	sne.s32 s22, $0x0;
	[sflag:s14] =	ssyncset.done $0x0;
	(pc) =	sbr.rel @p1 .LBB2_15-.Ltmp10, $4  }
0x8f: {  	s23 =	simm.s32 @!p0 $0x1;
	[sflag:s14] =	ssyncadd.s32 $0xFFFFF000  }
0x90: {  	_ =	swait.ge @!p0 [sflag:s23], $0x18700  }
0x91: {  	[sflag:s23] =	ssyncset.done @!p0 $0x0  }
0x92: {  	[sflag:s23] =	ssyncadd.s32 @!p0 $0xFFFE7900  }
0x93: {  	s23 =	sadd.s32 $0x1, s19  }
0x94: {  	s24 =	sshll.u32 s23, $0x9;
	s25 =	sshll.u32 s23, $0xC;
	s23 =	sshll.u32 s23, $0x2  }
0x95: {  	s24 =	sand.u32 $0x1C000, s24;
	s25 =	sand.u32 $0x3000, s25;
	s23 =	sand.u32 $0x70, s23  }
0x96: {  	s24 =	sor.u32 s24, s25;
	s23 =	sadd.s32 s3, s23  }
0x97: {  	s26 =	simm.s32 $0x18800;
	s23 =	sadd.s32 s24, s23  }
0x98: {  	s25 =	simm.s32 $0x80;
	s24 =	simm.s32 $0x18700;
	s28 =	sadd.s32 $0x0, s23  }
.LBB2_13:
0x99: {  	[tilespmem:s24], [sflag:$0x2] =	stream.linear.gather [hbm4b:s28+s5], $0x80, $0x38;
	[tilespmem:$0x1C700] =	vst v63  }
0x9a: {  	s28 =	smov.u32 s25;
	s24 =	smov.u32 s26;
	p0 =	sne.s32 s25, $0xF80  }
.Ltmp11:
0x9b: {  	s25 =	sadd.s32 $0x80, s25;
	(pc) =	sbr.rel @p0 .LBB2_13-.Ltmp11, $2  }
0x9c: {  	_ =	sdelay $0x2  }
0x9d: {  	s26 =	sadd.s32 $0x100, s26;
	s28 =	sadd.s32 s28, s23  }
0x9e: {  	p0 =	slt.u32 s19, $0x2  }
.Ltmp12:
0x9f: {  	_ = 	snop;
	(pc) =	sbr.rel @p0 .LBB2_16-.Ltmp12, $2  }
0xa0: {  	_ =	sdelay $0x2  }
0xa1: {  	[tilespmem:s24], [sflag:$0x2] =	stream.linear.gather [hbm4b:s28+s5], $0x80, $0x38;
	[tilespmem:$0x1C700] =	vst v63  }
.LBB2_15:
0xa2: {  	_ =	swait.ge [sflag:s15], $0x1000  }
0xa3: {  	[sflag:s15] =	ssyncset.done $0x0  }
0xa4: {  	[sflag:s15] =	ssyncadd.s32 $0xFFFFF000  }
.LBB2_16:
0xa5: {  	s23 =	simm.s32 $0x18880  }
0xa6: {  	v0 =	vld [tilespmem:s23+$0x70]  }
0xa7: {  	v1 =	vld [tilespmem:s23+$0xFFFFFF10]  }
0xa8: {  	v2 =	vld [tilespmem:s23+$0xFFFFFF20]  }
0xa9: {  	v3 =	vld [tilespmem:s23+$0xFFFFFF30]  }
0xaa: {  	v4 =	vld [tilespmem:s23+$0xFFFFFF40]  }
0xab: {  	v5 =	vld [tilespmem:s23+$0xFFFFFF50]  }
0xac: {  	v6 =	vld [tilespmem:s23+$0xFFFFFF60]  }
0xad: {  	v7 =	vld [tilespmem:s23+$0xFFFFFF70]  }
0xae: {  	v8 =	vld [tilespmem:s23+$0x0]  }
0xaf: {  	v9 =	vld [tilespmem:s23+$0x10]  }
0xb0: {  	v10 =	vld [tilespmem:s23+$0x20]  }
0xb1: {  	v11 =	vld [tilespmem:s23+$0x30]  }
0xb2: {  	v12 =	vld [tilespmem:s23+$0x40]  }
0xb3: {  	v13 =	vld [tilespmem:s23+$0x50]  }
0xb4: {  	v14 =	vld [tilespmem:s23+$0x60]  }
0xb5: {  	v15 =	vld [tilespmem:s23+$0xFFFFFF00]  }
0xb6: {  	v0 =	vld.idx.msk [tilespmem:v0+s5+$0x0], $0xffff  }
0xb7: {  	v1 =	vld.idx.msk [tilespmem:v1+s5+$0x0], $0xffff  }
0xb8: {  	v2 =	vld.idx.msk [tilespmem:v2+s5+$0x0], $0xffff  }
0xb9: {  	v3 =	vld.idx.msk [tilespmem:v3+s5+$0x0], $0xffff  }
0xba: {  	v4 =	vld.idx.msk [tilespmem:v4+s5+$0x0], $0xffff  }
0xbb: {  	s23 =	simm.s32 $0x1A880;
	v5 =	vld.idx.msk [tilespmem:v5+s5+$0x0], $0xffff  }
0xbc: {  	v6 =	vld.idx.msk [tilespmem:v6+s5+$0x0], $0xffff;
	[tilespmem:s23+$0x70] =	vst v0  }
0xbd: {  	v7 =	vld.idx.msk [tilespmem:v7+s5+$0x0], $0xffff;
	[tilespmem:s23+$0xFFFFFF10] =	vst v1  }
0xbe: {  	v15 =	vld.idx.msk [tilespmem:v15+s5+$0x0], $0xffff;
	[tilespmem:s23+$0xFFFFFF20] =	vst v2  }
0xbf: {  	v8 =	vld.idx.msk [tilespmem:v8+s5+$0x0], $0xffff;
	[tilespmem:s23+$0xFFFFFF30] =	vst v3  }
0xc0: {  	[tilespmem:s23+$0xFFFFFF40] =	vst v4;
	v1 =	vld.idx.msk [tilespmem:v9+s5+$0x0], $0xffff  }
0xc1: {  	[tilespmem:s23+$0xFFFFFF50] =	vst v5;
	v0 =	vld.idx.msk [tilespmem:v10+s5+$0x0], $0xffff  }
0xc2: {  	[tilespmem:s23+$0xFFFFFF60] =	vst v6;
	v2 =	vld.idx.msk [tilespmem:v11+s5+$0x0], $0xffff  }
0xc3: {  	[tilespmem:s23+$0xFFFFFF70] =	vst v7;
	v3 =	vld.idx.msk [tilespmem:v12+s5+$0x0], $0xffff  }
0xc4: {  	[tilespmem:s23+$0xFFFFFF00] =	vst v15;
	v4 =	vld.idx.msk [tilespmem:v13+s5+$0x0], $0xffff  }
0xc5: {  	s24 =	simm.s32 $0x0;
	s25 =	simm.s32 $0x18A80;
	[tilespmem:s23+$0x0] =	vst v8;
	v5 =	vld.idx.msk [tilespmem:v14+s5+$0x0], $0xffff  }
.LBB2_17:
0xc6: {  	v6 =	vld [tilespmem:s25+$0x70];
	s24 =	sadd.s32 $0x100, s24;
	[tilespmem:s23+$0x10] =	vst v1  }
0xc7: {  	v1 =	vld [tilespmem:s25+$0xFFFFFF10];
	p0 =	slt.u32 s24, $0xF00;
	[tilespmem:s23+$0x20] =	vst v0  }
0xc8: {  	v0 =	vld [tilespmem:s25+$0xFFFFFF20];
	[tilespmem:s23+$0x30] =	vst v2  }
0xc9: {  	v2 =	vld [tilespmem:s25+$0xFFFFFF30];
	[tilespmem:s23+$0x40] =	vst v3  }
0xca: {  	v3 =	vld [tilespmem:s25+$0xFFFFFF40];
	[tilespmem:s23+$0x50] =	vst v4  }
0xcb: {  	v4 =	vld [tilespmem:s25+$0xFFFFFF50];
	[tilespmem:s23+$0x60] =	vst v5  }
0xcc: {  	v5 =	vld [tilespmem:s25+$0xFFFFFF60]  }
0xcd: {  	v7 =	vld [tilespmem:s25+$0xFFFFFF70]  }
0xce: {  	v6 =	vld.idx.msk [tilespmem:v6+s5+$0x0], $0xffff  }
0xcf: {  	v8 =	vld [tilespmem:s25+$0x0]  }
0xd0: {  	v9 =	vld [tilespmem:s25+$0x10]  }
0xd1: {  	v10 =	vld [tilespmem:s25+$0x20]  }
0xd2: {  	v11 =	vld [tilespmem:s25+$0x30]  }
0xd3: {  	s23 =	sadd.s32 $0x200, s23;
	v12 =	vld [tilespmem:s25+$0x40]  }
0xd4: {  	v13 =	vld [tilespmem:s25+$0x50];
	[tilespmem:s23+$0x70] =	vst v6  }
0xd5: {  	v6 =	vld [tilespmem:s25+$0x60]  }
0xd6: {  	v14 =	vld [tilespmem:s25+$0xFFFFFF00]  }
0xd7: {  	v1 =	vld.idx.msk [tilespmem:v1+s5+$0x0], $0xffff  }
0xd8: {  	v0 =	vld.idx.msk [tilespmem:v0+s5+$0x0], $0xffff  }
0xd9: {  	v2 =	vld.idx.msk [tilespmem:v2+s5+$0x0], $0xffff  }
0xda: {  	v3 =	vld.idx.msk [tilespmem:v3+s5+$0x0], $0xffff  }
0xdb: {  	v4 =	vld.idx.msk [tilespmem:v4+s5+$0x0], $0xffff  }
0xdc: {  	v5 =	vld.idx.msk [tilespmem:v5+s5+$0x0], $0xffff  }
0xdd: {  	[tilespmem:s23+$0xFFFFFF10] =	vst v1;
	v7 =	vld.idx.msk [tilespmem:v7+s5+$0x0], $0xffff  }
0xde: {  	v14 =	vld.idx.msk [tilespmem:v14+s5+$0x0], $0xffff;
	[tilespmem:s23+$0xFFFFFF20] =	vst v0  }
0xdf: {  	[tilespmem:s23+$0xFFFFFF30] =	vst v2;
	v8 =	vld.idx.msk [tilespmem:v8+s5+$0x0], $0xffff  }
0xe0: {  	[tilespmem:s23+$0xFFFFFF40] =	vst v3;
	v1 =	vld.idx.msk [tilespmem:v9+s5+$0x0], $0xffff  }
.Ltmp13:
0xe1: {  	[tilespmem:s23+$0xFFFFFF50] =	vst v4;
	v0 =	vld.idx.msk [tilespmem:v10+s5+$0x0], $0xffff;
	(pc) =	sbr.rel @p0 .LBB2_17-.Ltmp13, $4  }
0xe2: {  	[tilespmem:s23+$0xFFFFFF60] =	vst v5;
	v2 =	vld.idx.msk [tilespmem:v11+s5+$0x0], $0xffff  }
0xe3: {  	[tilespmem:s23+$0xFFFFFF70] =	vst v7;
	v3 =	vld.idx.msk [tilespmem:v12+s5+$0x0], $0xffff  }
0xe4: {  	[tilespmem:s23+$0xFFFFFF00] =	vst v14;
	v4 =	vld.idx.msk [tilespmem:v13+s5+$0x0], $0xffff  }
0xe5: {  	s25 =	sadd.s32 $0x200, s25;
	[tilespmem:s23+$0x0] =	vst v8;
	v5 =	vld.idx.msk [tilespmem:v6+s5+$0x0], $0xffff  }
0xe6: {  	p0 =	sgt.u32 s19, $0x63  }
0xe7: {  	[tilespmem:s23+$0x10] =	vst v1;
	p1 =	sne.s32 @!p0 s22, $0x3  }
0xe8: {  	[tilespmem:s23+$0x20] =	vst v0;
	s31 =	sshll.u32 s21, $0x13;
	p0 =	por p1, p0  }
0xe9: {  	[tilespmem:s23+$0x30] =	vst v2;
	s22 =	smul.u32 @!p0 $0x30E000, s21;
	s21 =	sor.u32 s31, s9  }
0xea: {  	[tilespmem:s23+$0x40] =	vst v3;
	s24 =	simm.s32 @!p0 $0x400;
	s21 =	sor.u32 s6, s21  }
0xeb: {  	[tilespmem:s23+$0x50] =	vst v4;
	s25 =	simm.s32 @!p0 $0x0;
	s22 =	sadd.s32 @!p0 s22, s10;
	s20 =	sor.u32 s20, s21  }
0xec: {  	[tilespmem:s23+$0x60] =	vst v5;
	s23 =	simm.s32 @!p0 $0x80;
	s22 =	sshrl.u32 @!p0 s22, $0x3;
	s20 =	sshrl.u32 s20, $0x3  }
0xed: {  	s21 =	simm.s32 $0x1A780;
	s22 =	sadd.s32 @!p0 s1, s22;
	s20 =	sadd.s32 s4, s20  }
0xee: {  	[tilespmem:s25], [sflag:$0x1] =	stream.strided.gather @!p0 [hbm4b:s22+s23], $0x18700, s24, s23, $0x38;
	[tilespmem:$0x1C700] =	vst v63  }
0xef: {  	s22 =	simm.s32 $0x80;
	s24 =	sadd.s32 $0x0, s20;
	s23 =	simm.s32 $0x1A880  }
.LBB2_19:
0xf0: {  	[hbm4b:s24+s5] =	stream.linear.scatter [tilespmem:s21], [sflag:$0x5], $0x80, $0x38;
	[tilespmem:$0x1C700] =	vst v63  }
0xf1: {  	s24 =	smov.u32 s22;
	s21 =	smov.u32 s23;
	p0 =	sne.s32 s22, $0xF80  }
.Ltmp14:
0xf2: {  	s22 =	sadd.s32 $0x80, s22;
	(pc) =	sbr.rel @p0 .LBB2_19-.Ltmp14, $2  }
0xf3: {  	_ =	sdelay $0x2  }
0xf4: {  	s23 =	sadd.s32 $0x100, s23;
	s24 =	sadd.s32 s24, s20  }
.Ltmp15:
0xf5: {  	(pc) =	sbr.rel .LBB2_21-.Ltmp15, $2  }
0xf6: {  	_ =	sdelay $0x2  }
0xf7: {  	[hbm4b:s24+s5] =	stream.linear.scatter [tilespmem:s21], [sflag:$0x5], $0x80, $0x38;
	[tilespmem:$0x1C700] =	vst v63  }
.LBB2_23:
0xf8: {  	_ =	sfence.sel $0x180000  }
0xf9: {  	[bflag:$0x0] =	sbarrier.arrive $0xFFFF  }
0xfa: {  	p0 =	sne.s32 s2, $0x0;
	_ =	strace $0x90000047  }
0xfb: {  	s0 =	sadd.s32 @!p0 $0x100000, s0;
	[bflag:$0x2] =	sbarrier.arrive $0xFFFF  }
0xfc: {  	[sflag:s0] =	ssyncadd.tile.s32 @!p0 $0x1;
	_ =	shalt  }
.Lfunc_end2:
_tile_overlayer_lowered:
.L_overlay_start_2:
0xfd: {  	(tag) =	ssettag $0x2  }
0xfe: {  	s0 =	rddreg [dreg:$0x0];
	s2 =	stileid.u32  }
0xff: {  	s1 =	rddreg [dreg:$0x1];
	p0 =	sne.s32 s2, $0x0  }
0x100: {  	s3 =	rddreg [dreg:$0x2];
	[bflag:$0x3] =	sbarrier.arrive $0xFFFF;
	s2 =	simm.s32 @!p0 $0x1C06  }
0x101: {  	[timem:s3], [sflag:s2] =	dma.local @!p0 [hbm:s0], s1  }
0x102: {  	s0 =	simm.s32 @!p0 $0x6  }
0x103: {  	_ =	swait.ge @!p0 [sflag:s0], s1  }
0x104: {  	s1 =	ssub.s32 @!p0 $0x0, s1;
	[sflag:s0] =	ssyncset.done @!p0 $0x0  }
0x105: {  	[sflag:s0] =	ssyncadd.s32 @!p0 s1  }
0x106: {  	[bflag:$0x3] =	sbarrier.arrive $0xFFFF  }
0x107: {  	_ =	shalt  }

</sc_bundles>
